<compile_context>
chip_gen: v7x
topology: tpu7x:2x2x1
jax: 0.10.2.dev20260603
libtpu: 0.0.44.dev20260713+nightly
codegen_flags: <defaults>
</compile_context>

<pallas_src>
import functools

import jax
import jax.numpy as jnp
from jax import lax
from jax.experimental import pallas as pl
from jax.experimental.pallas import tpu as pltpu
from jax.experimental.pallas import tpu_sc as plsc

_N, _C, _P, _S = 4, 32, 256, 4096
_B = _N * _P
_NC, _NS = 1, 16
_NW = _NC * _NS
_BPW = _B // _NW
_BIG = 2**30
_SCHUNK = 64


def _dist_body(x_ref, cb_ref, idxf_ref, loss_ref):
    X = jnp.concatenate([x_ref[n] for n in range(_N)], axis=1)
    CB = cb_ref[:]
    csq = jnp.sum(CB * CB, axis=1, keepdims=True)
    A = jnp.concatenate([CB, csq], axis=1)
    Bm = jnp.concatenate(
        [-2.0 * X, jnp.ones((1, _B), jnp.float32)], axis=0)
    Ah = A.astype(jnp.bfloat16)
    Al = (A - Ah.astype(jnp.float32)).astype(jnp.bfloat16)
    Bh = Bm.astype(jnp.bfloat16)
    Bl = (Bm - Bh.astype(jnp.float32)).astype(jnp.bfloat16)
    Abig = jnp.concatenate([Ah, Ah, Al], axis=1)
    Bbig = jnp.concatenate([Bh, Bl, Bh], axis=0)
    nk = _S // _SCHUNK
    rows = lax.broadcasted_iota(jnp.int32, (_SCHUNK, _B), 0)
    m_run = None
    for k in range(nk):
        Ak = lax.slice(Abig, (k * _SCHUNK, 0), ((k + 1) * _SCHUNK, Abig.shape[1]))
        dk = lax.dot_general(
            Ak, Bbig, (((1,), (0,)), ((), ())),
            preferred_element_type=jnp.float32)
        mk = jnp.min(dk, axis=0)
        ik = jnp.min(jnp.where(dk <= mk[None, :], rows, _BIG), axis=0) + k * _SCHUNK
        if m_run is None:
            m_run, idx_run = mk, ik
        else:
            take = mk < m_run
            idx_run = jnp.where(take, ik, idx_run)
            m_run = jnp.where(take, mk, m_run)
    idxf_ref[:] = idx_run
    loss = (jnp.sum(m_run) + jnp.sum(x_ref[:] * x_ref[:])) * (1.0 / (_N * _C * _P))
    loss_ref[:, :] = loss.reshape(1, 1)


@functools.partial(
    pl.kernel,
    out_type=jax.ShapeDtypeStruct((_B, _C), jnp.float32),
    mesh=plsc.VectorSubcoreMesh(core_axis_name="c", subcore_axis_name="s", num_cores=1),
    scratch_types=[
        pltpu.VMEM((_BPW,), jnp.int32),
        pltpu.VMEM((_BPW, _C), jnp.float32),
        pltpu.SemaphoreType.DMA,
    ],
    compiler_params=pltpu.CompilerParams(use_tc_tiling_on_sc=False,
                                         skip_device_barrier=True),
)
def _sc_gather(cb_hbm, idx_hbm, out_hbm, idx_v, rows_v, sem):
    wid = lax.axis_index("s") * _NC + lax.axis_index("c")
    base = wid * _BPW
    pltpu.sync_copy(idx_hbm.at[pl.ds(base, _BPW)], idx_v)
    pltpu.async_copy(cb_hbm.at[idx_v], rows_v, sem).wait()
    pltpu.sync_copy(rows_v, out_hbm.at[pl.ds(base, _BPW)])


@jax.jit
def kernel(x, codebook):
    xr = x.reshape(_N, _C, _P)
    idx_flat, loss = pl.pallas_call(
        _dist_body,
        out_shape=[
            jax.ShapeDtypeStruct((_B,), jnp.int32),
            jax.ShapeDtypeStruct((1, 1), jnp.float32),
        ],
    )(xr, codebook)
    rows = _sc_gather(codebook, idx_flat)
    loss = loss.reshape(())
    indices = idx_flat.reshape(_N, 16, 16)
    output = rows.reshape(_N, _P, _C).transpose(0, 2, 1).reshape(x.shape)
    return (loss, loss, indices, output)

# --- scband reference (transcript-rebuilt; emitter-appended) ---
"""Pipeline reference for scband-vq-vae-codebook-loss-41729902248238 (READ-ONLY COPY).

The authoritative reference and input builder live on the scoring server;
editing this copy changes nothing except your own understanding.
"""

import jax, jax.numpy as jnp
import numpy as np


def setup_inputs(seed: int = 0) -> dict:
    key = jax.random.key(seed)
    k1, k2 = jax.random.split(key)
    x = jax.random.normal(k1, (4, 32, 16, 16), dtype=jnp.float32)
    # learned parameter: codebook [codebook_size, in_features], init randn / in_features
    codebook = jax.random.normal(k2, (4096, 32), dtype=jnp.float32) / 32.0
    return {"x": x, "codebook": codebook}


def reference(x, codebook):
    N = x.shape[0]
    C = x.shape[1]
    # flatten spatial dims: [N, C, P]
    x_flat = x.reshape(N, C, -1)
    # distance: ((x[:, None] - codebook[None, ..., None]) ** 2).sum(dim=2) -> [N, S, P]
    dist = ((x_flat[:, None, :, :] - codebook[None, :, :, None]) ** 2).sum(axis=2)
    # min over codebook dim -> indices [N, P]
    encoding_indices = jnp.argmin(dist, axis=1)
    # gather codes: codebook[idx] is [N, P, C]; rearrange 'N P C -> N C P', reshape
    x_quantized = jnp.transpose(codebook[encoding_indices], (0, 2, 1)).reshape(x.shape)
    # training / research_mode losses (mse_loss = mean squared error)
    loss_codebook = jnp.mean((jax.lax.stop_gradient(x) - x_quantized) ** 2)
    loss_commitment = jnp.mean((x - jax.lax.stop_gradient(x_quantized)) ** 2)
    codebook_indices = encoding_indices.reshape((-1,) + x.shape[2:])
    # straight-through output
    output = x + jax.lax.stop_gradient(x_quantized - x)
    return (loss_codebook, loss_commitment, codebook_indices, output)

if __name__ == "__main__":
    import jax
    _d = setup_inputs()
    print(jax.jit(kernel)(*tuple(_d.values())))

</pallas_src>

<mosaic_0001>
#map = affine_map<(d0, d1) -> (0, 0)>
#map1 = affine_map<(d0, d1) -> (0)>
module attributes {stable_mosaic.version = 14 : i64} {
  func.func @_sc_gather(%arg0: i32, %arg1: i32, %arg2: memref<4096x32xf32, #tpu.memory_space<hbm>>, %arg3: memref<1024xi32, #tpu.memory_space<hbm>>, %arg4: memref<1024x32xf32, #tpu.memory_space<hbm>>, %arg5: memref<64xi32, #tpu.memory_space<vmem>>, %arg6: memref<64x32xf32, #tpu.memory_space<vmem>>, %arg7: memref<!tpu.dma_semaphore, #tpu.memory_space<semaphore_mem>>) attributes {dimension_semantics = [#tpu.dimension_semantics<core_parallel>, #tpu.dimension_semantics<subcore_parallel>], iteration_bounds = array<i64: 1, 16>, scalar_prefetch = 0 : i64, scratch_operands = 3 : i64, tpu.core_type = #tpu.core_type<sc_vector_subcore>, window_params = [{transform_indices = #map}, {transform_indices = #map1}, {transform_indices = #map}]} {
    %mul3A = arith.constant 1 : i32
    %mul3A_0 = arith.muli %arg1, %mul3A : i32
    %add3A = arith.addi %mul3A_0, %arg0 : i32
    %mul3A_1 = arith.constant 64 : i32
    %mul3A_2 = arith.muli %add3A, %mul3A_1 : i32
    "tpu.region"() ({
      %run_scoped3A = tpu.sem_alloc : memref<!tpu.dma_semaphore, #tpu.memory_space<semaphore_mem>>
      %dma_start3A_7 = tpu.memref_slice %arg3[%mul3A_2] : memref<1024xi32, #tpu.memory_space<hbm>> -> memref<64xi32, #tpu.memory_space<hbm>>
      %dma_start3A_8 = tpu.memref_slice %arg3[%mul3A_2] : memref<1024xi32, #tpu.memory_space<hbm>> -> memref<64xi32, #tpu.memory_space<hbm>>
      tpu.enqueue_dma source(%dma_start3A_8 : memref<64xi32, #tpu.memory_space<hbm>>) target(%arg5 : memref<64xi32, #tpu.memory_space<vmem>>) target_semaphore(%run_scoped3A : memref<!tpu.dma_semaphore, #tpu.memory_space<semaphore_mem>>)
      %dma_wait3A_9 = tpu.memref_slice %arg3[%mul3A_2] : memref<1024xi32, #tpu.memory_space<hbm>> -> memref<64xi32, #tpu.memory_space<hbm>>
      %dma_wait3A_10 = tpu.memref_slice %arg3[%mul3A_2] : memref<1024xi32, #tpu.memory_space<hbm>> -> memref<64xi32, #tpu.memory_space<hbm>>
      tpu.wait_dma2 semaphore(%run_scoped3A : memref<!tpu.dma_semaphore, #tpu.memory_space<semaphore_mem>>) src(%dma_wait3A_10 : memref<64xi32, #tpu.memory_space<hbm>>) dst(%arg5 : memref<64xi32, #tpu.memory_space<vmem>>)
      tpu.yield
    }) : () -> ()
    %dma_start3A = arith.constant 0 : i32
    %dma_start3A_3 = arith.constant 0 : i32
    %dma_start3A_4 = tpu.memref_slice %arg2[%dma_start3A, %dma_start3A_3] : memref<4096x32xf32, #tpu.memory_space<hbm>> -> memref<4096x32xf32, #tpu.memory_space<hbm>>
    tpu.enqueue_indirect_dma source(%dma_start3A_4 : memref<4096x32xf32, #tpu.memory_space<hbm>>) target(%arg6 : memref<64x32xf32, #tpu.memory_space<vmem>>) offsets(%arg5 : memref<64xi32, #tpu.memory_space<vmem>>) semaphore(%arg7 : memref<!tpu.dma_semaphore, #tpu.memory_space<semaphore_mem>>)
    %dma_wait3A = arith.constant 0 : i32
    %dma_wait3A_5 = arith.constant 0 : i32
    %dma_wait3A_6 = tpu.memref_slice %arg2[%dma_wait3A, %dma_wait3A_5] : memref<4096x32xf32, #tpu.memory_space<hbm>> -> memref<4096x32xf32, #tpu.memory_space<hbm>>
    tpu.wait_indirect_dma semaphore(%arg7 : memref<!tpu.dma_semaphore, #tpu.memory_space<semaphore_mem>>) src(%dma_wait3A_6 : memref<4096x32xf32, #tpu.memory_space<hbm>>) dst(%arg6 : memref<64x32xf32, #tpu.memory_space<vmem>>)
    "tpu.region"() ({
      %run_scoped3A = tpu.sem_alloc : memref<!tpu.dma_semaphore, #tpu.memory_space<semaphore_mem>>
      %dma_start3A_7 = arith.constant 0 : i32
      %dma_start3A_8 = tpu.memref_slice %arg4[%mul3A_2, %dma_start3A_7] : memref<1024x32xf32, #tpu.memory_space<hbm>> -> memref<64x32xf32, #tpu.memory_space<hbm>>
      %dma_start3A_9 = arith.constant 0 : i32
      %dma_start3A_10 = tpu.memref_slice %arg4[%mul3A_2, %dma_start3A_9] : memref<1024x32xf32, #tpu.memory_space<hbm>> -> memref<64x32xf32, #tpu.memory_space<hbm>>
      tpu.enqueue_dma source(%arg6 : memref<64x32xf32, #tpu.memory_space<vmem>>) target(%dma_start3A_10 : memref<64x32xf32, #tpu.memory_space<hbm>>) target_semaphore(%run_scoped3A : memref<!tpu.dma_semaphore, #tpu.memory_space<semaphore_mem>>)
      %dma_wait3A_11 = arith.constant 0 : i32
      %dma_wait3A_12 = tpu.memref_slice %arg4[%mul3A_2, %dma_wait3A_11] : memref<1024x32xf32, #tpu.memory_space<hbm>> -> memref<64x32xf32, #tpu.memory_space<hbm>>
      %dma_wait3A_13 = arith.constant 0 : i32
      %dma_wait3A_14 = tpu.memref_slice %arg4[%mul3A_2, %dma_wait3A_13] : memref<1024x32xf32, #tpu.memory_space<hbm>> -> memref<64x32xf32, #tpu.memory_space<hbm>>
      tpu.wait_dma2 semaphore(%run_scoped3A : memref<!tpu.dma_semaphore, #tpu.memory_space<semaphore_mem>>) src(%arg6 : memref<64x32xf32, #tpu.memory_space<vmem>>) dst(%dma_wait3A_14 : memref<64x32xf32, #tpu.memory_space<hbm>>)
      tpu.yield
    }) : () -> ()
    return
  }
}

module attributes {stable_mosaic.version = 14 : i64} {
  func.func @_dist_body(%arg0: memref<4x32x256xf32, #tpu.memory_space<vmem>>, %arg1: memref<4096x32xf32, #tpu.memory_space<vmem>>, %arg2: memref<1024xi32, #tpu.memory_space<vmem>>, %arg3: memref<1x1xf32, #tpu.memory_space<vmem>>) attributes {dimension_semantics = [], scalar_prefetch = 0 : i64, scratch_operands = 0 : i64, tpu.core_type = #tpu.core_type<tc>} {
    %get3A = arith.constant 0 : index
    %get3A_0 = arith.constant 0 : index
    %get3A_1 = arith.constant 0 : index
    %get3A_2 = vector.load %arg0[%get3A, %get3A_0, %get3A_1] : memref<4x32x256xf32, #tpu.memory_space<vmem>>, vector<1x32x256xf32>
    %get3A_3 = vector.shape_cast %get3A_2 : vector<1x32x256xf32> to vector<32x256xf32>
    %get3A_4 = arith.constant 1 : index
    %get3A_5 = arith.constant 0 : index
    %get3A_6 = arith.constant 0 : index
    %get3A_7 = vector.load %arg0[%get3A_4, %get3A_5, %get3A_6] : memref<4x32x256xf32, #tpu.memory_space<vmem>>, vector<1x32x256xf32>
    %get3A_8 = vector.shape_cast %get3A_7 : vector<1x32x256xf32> to vector<32x256xf32>
    %get3A_9 = arith.constant 2 : index
    %get3A_10 = arith.constant 0 : index
    %get3A_11 = arith.constant 0 : index
    %get3A_12 = vector.load %arg0[%get3A_9, %get3A_10, %get3A_11] : memref<4x32x256xf32, #tpu.memory_space<vmem>>, vector<1x32x256xf32>
    %get3A_13 = vector.shape_cast %get3A_12 : vector<1x32x256xf32> to vector<32x256xf32>
    %get3A_14 = arith.constant 3 : index
    %get3A_15 = arith.constant 0 : index
    %get3A_16 = arith.constant 0 : index
    %get3A_17 = vector.load %arg0[%get3A_14, %get3A_15, %get3A_16] : memref<4x32x256xf32, #tpu.memory_space<vmem>>, vector<1x32x256xf32>
    %get3A_18 = vector.shape_cast %get3A_17 : vector<1x32x256xf32> to vector<32x256xf32>
    %concatenate3A = tpu.concatenate %get3A_3, %get3A_8, %get3A_13, %get3A_18 in 1 : vector<32x256xf32>, vector<32x256xf32>, vector<32x256xf32>, vector<32x256xf32> -> vector<32x1024xf32>
    %get3A_19 = arith.constant 0 : index
    %get3A_20 = arith.constant 0 : index
    %get3A_21 = vector.load %arg1[%get3A_19, %get3A_20] : memref<4096x32xf32, #tpu.memory_space<vmem>>, vector<4096x32xf32>
    %mul3A = arith.mulf %get3A_21, %get3A_21 : vector<4096x32xf32>
    %reduce_sum3A = arith.constant dense<0.000000e+00> : vector<4096xf32>
    %reduce_sum3A_22 = vector.multi_reduction <add>, %mul3A, %reduce_sum3A [1] : vector<4096x32xf32> to vector<4096xf32>
    %broadcast_in_dim3A = vector.shape_cast %reduce_sum3A_22 : vector<4096xf32> to vector<4096x1xf32>
    %concatenate3A_23 = tpu.concatenate %get3A_21, %broadcast_in_dim3A in 1 : vector<4096x32xf32>, vector<4096x1xf32> -> vector<4096x33xf32>
    %mul3A_24 = arith.constant -2.000000e+00 : f32
    %mul3A_25 = vector.broadcast %mul3A_24 : f32 to vector<32x1024xf32>
    %mul3A_26 = arith.mulf %mul3A_25, %concatenate3A : vector<32x1024xf32>
    %broadcast_in_dim3A_27 = arith.constant 1.000000e+00 : f32
    %broadcast_in_dim3A_28 = vector.broadcast %broadcast_in_dim3A_27 : f32 to vector<1x1024xf32>
    %concatenate3A_29 = tpu.concatenate %mul3A_26, %broadcast_in_dim3A_28 in 0 : vector<32x1024xf32>, vector<1x1024xf32> -> vector<33x1024xf32>
    %convert_element_type3A = arith.truncf %concatenate3A_23 : vector<4096x33xf32> to vector<4096x33xbf16>
    %convert_element_type3A_30 = arith.extf %convert_element_type3A : vector<4096x33xbf16> to vector<4096x33xf32>
    %sub3A = arith.subf %concatenate3A_23, %convert_element_type3A_30 : vector<4096x33xf32>
    %convert_element_type3A_31 = arith.truncf %sub3A : vector<4096x33xf32> to vector<4096x33xbf16>
    %convert_element_type3A_32 = arith.truncf %concatenate3A_29 : vector<33x1024xf32> to vector<33x1024xbf16>
    %convert_element_type3A_33 = arith.extf %convert_element_type3A_32 : vector<33x1024xbf16> to vector<33x1024xf32>
    %sub3A_34 = arith.subf %concatenate3A_29, %convert_element_type3A_33 : vector<33x1024xf32>
    %convert_element_type3A_35 = arith.truncf %sub3A_34 : vector<33x1024xf32> to vector<33x1024xbf16>
    %concatenate3A_36 = tpu.concatenate %convert_element_type3A, %convert_element_type3A, %convert_element_type3A_31 in 1 : vector<4096x33xbf16>, vector<4096x33xbf16>, vector<4096x33xbf16> -> vector<4096x99xbf16>
    %concatenate3A_37 = tpu.concatenate %convert_element_type3A_32, %convert_element_type3A_35, %convert_element_type3A_32 in 0 : vector<33x1024xbf16>, vector<33x1024xbf16>, vector<33x1024xbf16> -> vector<99x1024xbf16>
    %iota3A = tpu.iota {dimensions = array<i32: 0>} : vector<64x1024xi32>
    %slice3A = vector.extract_strided_slice %concatenate3A_36 {offsets = [0, 0], sizes = [64, 99], strides = [1, 1]} : vector<4096x99xbf16> to vector<64x99xbf16>
    %dot_general3A = arith.constant dense<0.000000e+00> : vector<64x1024xf32>
    %dot_general3A_38 = tpu.matmul %slice3A, %concatenate3A_37, %dot_general3A {dimension_numbers = #tpu.dot_dimension_numbers<[1], [0], [0], [1], [0, 0, 1, 1], [], []>, transpose_lhs_hint = false} : vector<64x99xbf16>, vector<99x1024xbf16>, vector<64x1024xf32> -> vector<64x1024xf32>
    %reduce_min3A = arith.constant dense<0x7F800000> : vector<1024xf32>
    %reduce_min3A_39 = vector.multi_reduction <minimumf>, %dot_general3A_38, %reduce_min3A [0] : vector<64x1024xf32> to vector<1024xf32>
    %broadcast_in_dim3A_40 = vector.shape_cast %reduce_min3A_39 : vector<1024xf32> to vector<1x1024xf32>
    %le3A = vector.broadcast %broadcast_in_dim3A_40 : vector<1x1024xf32> to vector<64x1024xf32>
    %le3A_41 = arith.cmpf ole, %dot_general3A_38, %le3A : vector<64x1024xf32>
    %jit3A = arith.constant 1073741824 : i32
    %broadcast_in_dim3A_42 = vector.broadcast %jit3A : i32 to vector<64x1024xi32>
    %select_n3A = arith.select %le3A_41, %iota3A, %broadcast_in_dim3A_42 : vector<64x1024xi1>, vector<64x1024xi32>
    %reduce_min3A_43 = arith.constant dense<2147483647> : vector<1024xi32>
    %reduce_min3A_44 = vector.multi_reduction <minsi>, %select_n3A, %reduce_min3A_43 [0] : vector<64x1024xi32> to vector<1024xi32>
    %add3A = arith.constant 0 : i32
    %add3A_45 = vector.broadcast %add3A : i32 to vector<1024xi32>
    %add3A_46 = arith.addi %reduce_min3A_44, %add3A_45 : vector<1024xi32>
    %slice3A_47 = vector.extract_strided_slice %concatenate3A_36 {offsets = [64, 0], sizes = [64, 99], strides = [1, 1]} : vector<4096x99xbf16> to vector<64x99xbf16>
    %dot_general3A_48 = arith.constant dense<0.000000e+00> : vector<64x1024xf32>
    %dot_general3A_49 = tpu.matmul %slice3A_47, %concatenate3A_37, %dot_general3A_48 {dimension_numbers = #tpu.dot_dimension_numbers<[1], [0], [0], [1], [0, 0, 1, 1], [], []>, transpose_lhs_hint = false} : vector<64x99xbf16>, vector<99x1024xbf16>, vector<64x1024xf32> -> vector<64x1024xf32>
    %reduce_min3A_50 = arith.constant dense<0x7F800000> : vector<1024xf32>
    %reduce_min3A_51 = vector.multi_reduction <minimumf>, %dot_general3A_49, %reduce_min3A_50 [0] : vector<64x1024xf32> to vector<1024xf32>
    %broadcast_in_dim3A_52 = vector.shape_cast %reduce_min3A_51 : vector<1024xf32> to vector<1x1024xf32>
    %le3A_53 = vector.broadcast %broadcast_in_dim3A_52 : vector<1x1024xf32> to vector<64x1024xf32>
    %le3A_54 = arith.cmpf ole, %dot_general3A_49, %le3A_53 : vector<64x1024xf32>
    %jit3A_55 = arith.constant 1073741824 : i32
    %broadcast_in_dim3A_56 = vector.broadcast %jit3A_55 : i32 to vector<64x1024xi32>
    %select_n3A_57 = arith.select %le3A_54, %iota3A, %broadcast_in_dim3A_56 : vector<64x1024xi1>, vector<64x1024xi32>
    %reduce_min3A_58 = arith.constant dense<2147483647> : vector<1024xi32>
    %reduce_min3A_59 = vector.multi_reduction <minsi>, %select_n3A_57, %reduce_min3A_58 [0] : vector<64x1024xi32> to vector<1024xi32>
    %add3A_60 = arith.constant 64 : i32
    %add3A_61 = vector.broadcast %add3A_60 : i32 to vector<1024xi32>
    %add3A_62 = arith.addi %reduce_min3A_59, %add3A_61 : vector<1024xi32>
    %lt3A = arith.cmpf olt, %reduce_min3A_51, %reduce_min3A_39 : vector<1024xf32>
    %select_n3A_63 = arith.select %lt3A, %add3A_62, %add3A_46 : vector<1024xi1>, vector<1024xi32>
    %select_n3A_64 = arith.select %lt3A, %reduce_min3A_51, %reduce_min3A_39 : vector<1024xi1>, vector<1024xf32>
    %slice3A_65 = vector.extract_strided_slice %concatenate3A_36 {offsets = [128, 0], sizes = [64, 99], strides = [1, 1]} : vector<4096x99xbf16> to vector<64x99xbf16>
    %dot_general3A_66 = arith.constant dense<0.000000e+00> : vector<64x1024xf32>
    %dot_general3A_67 = tpu.matmul %slice3A_65, %concatenate3A_37, %dot_general3A_66 {dimension_numbers = #tpu.dot_dimension_numbers<[1], [0], [0], [1], [0, 0, 1, 1], [], []>, transpose_lhs_hint = false} : vector<64x99xbf16>, vector<99x1024xbf16>, vector<64x1024xf32> -> vector<64x1024xf32>
    %reduce_min3A_68 = arith.constant dense<0x7F800000> : vector<1024xf32>
    %reduce_min3A_69 = vector.multi_reduction <minimumf>, %dot_general3A_67, %reduce_min3A_68 [0] : vector<64x1024xf32> to vector<1024xf32>
    %broadcast_in_dim3A_70 = vector.shape_cast %reduce_min3A_69 : vector<1024xf32> to vector<1x1024xf32>
    %le3A_71 = vector.broadcast %broadcast_in_dim3A_70 : vector<1x1024xf32> to vector<64x1024xf32>
    %le3A_72 = arith.cmpf ole, %dot_general3A_67, %le3A_71 : vector<64x1024xf32>
    %jit3A_73 = arith.constant 1073741824 : i32
    %broadcast_in_dim3A_74 = vector.broadcast %jit3A_73 : i32 to vector<64x1024xi32>
    %select_n3A_75 = arith.select %le3A_72, %iota3A, %broadcast_in_dim3A_74 : vector<64x1024xi1>, vector<64x1024xi32>
    %reduce_min3A_76 = arith.constant dense<2147483647> : vector<1024xi32>
    %reduce_min3A_77 = vector.multi_reduction <minsi>, %select_n3A_75, %reduce_min3A_76 [0] : vector<64x1024xi32> to vector<1024xi32>
    %add3A_78 = arith.constant 128 : i32
    %add3A_79 = vector.broadcast %add3A_78 : i32 to vector<1024xi32>
    %add3A_80 = arith.addi %reduce_min3A_77, %add3A_79 : vector<1024xi32>
    %lt3A_81 = arith.cmpf olt, %reduce_min3A_69, %select_n3A_64 : vector<1024xf32>
    %select_n3A_82 = arith.select %lt3A_81, %add3A_80, %select_n3A_63 : vector<1024xi1>, vector<1024xi32>
    %select_n3A_83 = arith.select %lt3A_81, %reduce_min3A_69, %select_n3A_64 : vector<1024xi1>, vector<1024xf32>
    %slice3A_84 = vector.extract_strided_slice %concatenate3A_36 {offsets = [192, 0], sizes = [64, 99], strides = [1, 1]} : vector<4096x99xbf16> to vector<64x99xbf16>
    %dot_general3A_85 = arith.constant dense<0.000000e+00> : vector<64x1024xf32>
    %dot_general3A_86 = tpu.matmul %slice3A_84, %concatenate3A_37, %dot_general3A_85 {dimension_numbers = #tpu.dot_dimension_numbers<[1], [0], [0], [1], [0, 0, 1, 1], [], []>, transpose_lhs_hint = false} : vector<64x99xbf16>, vector<99x1024xbf16>, vector<64x1024xf32> -> vector<64x1024xf32>
    %reduce_min3A_87 = arith.constant dense<0x7F800000> : vector<1024xf32>
    %reduce_min3A_88 = vector.multi_reduction <minimumf>, %dot_general3A_86, %reduce_min3A_87 [0] : vector<64x1024xf32> to vector<1024xf32>
    %broadcast_in_dim3A_89 = vector.shape_cast %reduce_min3A_88 : vector<1024xf32> to vector<1x1024xf32>
    %le3A_90 = vector.broadcast %broadcast_in_dim3A_89 : vector<1x1024xf32> to vector<64x1024xf32>
    %le3A_91 = arith.cmpf ole, %dot_general3A_86, %le3A_90 : vector<64x1024xf32>
    %jit3A_92 = arith.constant 1073741824 : i32
    %broadcast_in_dim3A_93 = vector.broadcast %jit3A_92 : i32 to vector<64x1024xi32>
    %select_n3A_94 = arith.select %le3A_91, %iota3A, %broadcast_in_dim3A_93 : vector<64x1024xi1>, vector<64x1024xi32>
    %reduce_min3A_95 = arith.constant dense<2147483647> : vector<1024xi32>
    %reduce_min3A_96 = vector.multi_reduction <minsi>, %select_n3A_94, %reduce_min3A_95 [0] : vector<64x1024xi32> to vector<1024xi32>
    %add3A_97 = arith.constant 192 : i32
    %add3A_98 = vector.broadcast %add3A_97 : i32 to vector<1024xi32>
    %add3A_99 = arith.addi %reduce_min3A_96, %add3A_98 : vector<1024xi32>
    %lt3A_100 = arith.cmpf olt, %reduce_min3A_88, %select_n3A_83 : vector<1024xf32>
    %select_n3A_101 = arith.select %lt3A_100, %add3A_99, %select_n3A_82 : vector<1024xi1>, vector<1024xi32>
    %select_n3A_102 = arith.select %lt3A_100, %reduce_min3A_88, %select_n3A_83 : vector<1024xi1>, vector<1024xf32>
    %slice3A_103 = vector.extract_strided_slice %concatenate3A_36 {offsets = [256, 0], sizes = [64, 99], strides = [1, 1]} : vector<4096x99xbf16> to vector<64x99xbf16>
    %dot_general3A_104 = arith.constant dense<0.000000e+00> : vector<64x1024xf32>
    %dot_general3A_105 = tpu.matmul %slice3A_103, %concatenate3A_37, %dot_general3A_104 {dimension_numbers = #tpu.dot_dimension_numbers<[1], [0], [0], [1], [0, 0, 1, 1], [], []>, transpose_lhs_hint = false} : vector<64x99xbf16>, vector<99x1024xbf16>, vector<64x1024xf32> -> vector<64x1024xf32>
    %reduce_min3A_106 = arith.constant dense<0x7F800000> : vector<1024xf32>
    %reduce_min3A_107 = vector.multi_reduction <minimumf>, %dot_general3A_105, %reduce_min3A_106 [0] : vector<64x1024xf32> to vector<1024xf32>
    %broadcast_in_dim3A_108 = vector.shape_cast %reduce_min3A_107 : vector<1024xf32> to vector<1x1024xf32>
    %le3A_109 = vector.broadcast %broadcast_in_dim3A_108 : vector<1x1024xf32> to vector<64x1024xf32>
    %le3A_110 = arith.cmpf ole, %dot_general3A_105, %le3A_109 : vector<64x1024xf32>
    %jit3A_111 = arith.constant 1073741824 : i32
    %broadcast_in_dim3A_112 = vector.broadcast %jit3A_111 : i32 to vector<64x1024xi32>
    %select_n3A_113 = arith.select %le3A_110, %iota3A, %broadcast_in_dim3A_112 : vector<64x1024xi1>, vector<64x1024xi32>
    %reduce_min3A_114 = arith.constant dense<2147483647> : vector<1024xi32>
    %reduce_min3A_115 = vector.multi_reduction <minsi>, %select_n3A_113, %reduce_min3A_114 [0] : vector<64x1024xi32> to vector<1024xi32>
    %add3A_116 = arith.constant 256 : i32
    %add3A_117 = vector.broadcast %add3A_116 : i32 to vector<1024xi32>
    %add3A_118 = arith.addi %reduce_min3A_115, %add3A_117 : vector<1024xi32>
    %lt3A_119 = arith.cmpf olt, %reduce_min3A_107, %select_n3A_102 : vector<1024xf32>
    %select_n3A_120 = arith.select %lt3A_119, %add3A_118, %select_n3A_101 : vector<1024xi1>, vector<1024xi32>
    %select_n3A_121 = arith.select %lt3A_119, %reduce_min3A_107, %select_n3A_102 : vector<1024xi1>, vector<1024xf32>
    %slice3A_122 = vector.extract_strided_slice %concatenate3A_36 {offsets = [320, 0], sizes = [64, 99], strides = [1, 1]} : vector<4096x99xbf16> to vector<64x99xbf16>
    %dot_general3A_123 = arith.constant dense<0.000000e+00> : vector<64x1024xf32>
    %dot_general3A_124 = tpu.matmul %slice3A_122, %concatenate3A_37, %dot_general3A_123 {dimension_numbers = #tpu.dot_dimension_numbers<[1], [0], [0], [1], [0, 0, 1, 1], [], []>, transpose_lhs_hint = false} : vector<64x99xbf16>, vector<99x1024xbf16>, vector<64x1024xf32> -> vector<64x1024xf32>
    %reduce_min3A_125 = arith.constant dense<0x7F800000> : vector<1024xf32>
    %reduce_min3A_126 = vector.multi_reduction <minimumf>, %dot_general3A_124, %reduce_min3A_125 [0] : vector<64x1024xf32> to vector<1024xf32>
    %broadcast_in_dim3A_127 = vector.shape_cast %reduce_min3A_126 : vector<1024xf32> to vector<1x1024xf32>
    %le3A_128 = vector.broadcast %broadcast_in_dim3A_127 : vector<1x1024xf32> to vector<64x1024xf32>
    %le3A_129 = arith.cmpf ole, %dot_general3A_124, %le3A_128 : vector<64x1024xf32>
    %jit3A_130 = arith.constant 1073741824 : i32
    %broadcast_in_dim3A_131 = vector.broadcast %jit3A_130 : i32 to vector<64x1024xi32>
    %select_n3A_132 = arith.select %le3A_129, %iota3A, %broadcast_in_dim3A_131 : vector<64x1024xi1>, vector<64x1024xi32>
    %reduce_min3A_133 = arith.constant dense<2147483647> : vector<1024xi32>
    %reduce_min3A_134 = vector.multi_reduction <minsi>, %select_n3A_132, %reduce_min3A_133 [0] : vector<64x1024xi32> to vector<1024xi32>
    %add3A_135 = arith.constant 320 : i32
    %add3A_136 = vector.broadcast %add3A_135 : i32 to vector<1024xi32>
    %add3A_137 = arith.addi %reduce_min3A_134, %add3A_136 : vector<1024xi32>
    %lt3A_138 = arith.cmpf olt, %reduce_min3A_126, %select_n3A_121 : vector<1024xf32>
    %select_n3A_139 = arith.select %lt3A_138, %add3A_137, %select_n3A_120 : vector<1024xi1>, vector<1024xi32>
    %select_n3A_140 = arith.select %lt3A_138, %reduce_min3A_126, %select_n3A_121 : vector<1024xi1>, vector<1024xf32>
    %slice3A_141 = vector.extract_strided_slice %concatenate3A_36 {offsets = [384, 0], sizes = [64, 99], strides = [1, 1]} : vector<4096x99xbf16> to vector<64x99xbf16>
    %dot_general3A_142 = arith.constant dense<0.000000e+00> : vector<64x1024xf32>
    %dot_general3A_143 = tpu.matmul %slice3A_141, %concatenate3A_37, %dot_general3A_142 {dimension_numbers = #tpu.dot_dimension_numbers<[1], [0], [0], [1], [0, 0, 1, 1], [], []>, transpose_lhs_hint = false} : vector<64x99xbf16>, vector<99x1024xbf16>, vector<64x1024xf32> -> vector<64x1024xf32>
    %reduce_min3A_144 = arith.constant dense<0x7F800000> : vector<1024xf32>
    %reduce_min3A_145 = vector.multi_reduction <minimumf>, %dot_general3A_143, %reduce_min3A_144 [0] : vector<64x1024xf32> to vector<1024xf32>
    %broadcast_in_dim3A_146 = vector.shape_cast %reduce_min3A_145 : vector<1024xf32> to vector<1x1024xf32>
    %le3A_147 = vector.broadcast %broadcast_in_dim3A_146 : vector<1x1024xf32> to vector<64x1024xf32>
    %le3A_148 = arith.cmpf ole, %dot_general3A_143, %le3A_147 : vector<64x1024xf32>
    %jit3A_149 = arith.constant 1073741824 : i32
    %broadcast_in_dim3A_150 = vector.broadcast %jit3A_149 : i32 to vector<64x1024xi32>
    %select_n3A_151 = arith.select %le3A_148, %iota3A, %broadcast_in_dim3A_150 : vector<64x1024xi1>, vector<64x1024xi32>
    %reduce_min3A_152 = arith.constant dense<2147483647> : vector<1024xi32>
    %reduce_min3A_153 = vector.multi_reduction <minsi>, %select_n3A_151, %reduce_min3A_152 [0] : vector<64x1024xi32> to vector<1024xi32>
    %add3A_154 = arith.constant 384 : i32
    %add3A_155 = vector.broadcast %add3A_154 : i32 to vector<1024xi32>
    %add3A_156 = arith.addi %reduce_min3A_153, %add3A_155 : vector<1024xi32>
    %lt3A_157 = arith.cmpf olt, %reduce_min3A_145, %select_n3A_140 : vector<1024xf32>
    %select_n3A_158 = arith.select %lt3A_157, %add3A_156, %select_n3A_139 : vector<1024xi1>, vector<1024xi32>
    %select_n3A_159 = arith.select %lt3A_157, %reduce_min3A_145, %select_n3A_140 : vector<1024xi1>, vector<1024xf32>
    %slice3A_160 = vector.extract_strided_slice %concatenate3A_36 {offsets = [448, 0], sizes = [64, 99], strides = [1, 1]} : vector<4096x99xbf16> to vector<64x99xbf16>
    %dot_general3A_161 = arith.constant dense<0.000000e+00> : vector<64x1024xf32>
    %dot_general3A_162 = tpu.matmul %slice3A_160, %concatenate3A_37, %dot_general3A_161 {dimension_numbers = #tpu.dot_dimension_numbers<[1], [0], [0], [1], [0, 0, 1, 1], [], []>, transpose_lhs_hint = false} : vector<64x99xbf16>, vector<99x1024xbf16>, vector<64x1024xf32> -> vector<64x1024xf32>
    %reduce_min3A_163 = arith.constant dense<0x7F800000> : vector<1024xf32>
    %reduce_min3A_164 = vector.multi_reduction <minimumf>, %dot_general3A_162, %reduce_min3A_163 [0] : vector<64x1024xf32> to vector<1024xf32>
    %broadcast_in_dim3A_165 = vector.shape_cast %reduce_min3A_164 : vector<1024xf32> to vector<1x1024xf32>
    %le3A_166 = vector.broadcast %broadcast_in_dim3A_165 : vector<1x1024xf32> to vector<64x1024xf32>
    %le3A_167 = arith.cmpf ole, %dot_general3A_162, %le3A_166 : vector<64x1024xf32>
    %jit3A_168 = arith.constant 1073741824 : i32
    %broadcast_in_dim3A_169 = vector.broadcast %jit3A_168 : i32 to vector<64x1024xi32>
    %select_n3A_170 = arith.select %le3A_167, %iota3A, %broadcast_in_dim3A_169 : vector<64x1024xi1>, vector<64x1024xi32>
    %reduce_min3A_171 = arith.constant dense<2147483647> : vector<1024xi32>
    %reduce_min3A_172 = vector.multi_reduction <minsi>, %select_n3A_170, %reduce_min3A_171 [0] : vector<64x1024xi32> to vector<1024xi32>
    %add3A_173 = arith.constant 448 : i32
    %add3A_174 = vector.broadcast %add3A_173 : i32 to vector<1024xi32>
    %add3A_175 = arith.addi %reduce_min3A_172, %add3A_174 : vector<1024xi32>
    %lt3A_176 = arith.cmpf olt, %reduce_min3A_164, %select_n3A_159 : vector<1024xf32>
    %select_n3A_177 = arith.select %lt3A_176, %add3A_175, %select_n3A_158 : vector<1024xi1>, vector<1024xi32>
    %select_n3A_178 = arith.select %lt3A_176, %reduce_min3A_164, %select_n3A_159 : vector<1024xi1>, vector<1024xf32>
    %slice3A_179 = vector.extract_strided_slice %concatenate3A_36 {offsets = [512, 0], sizes = [64, 99], strides = [1, 1]} : vector<4096x99xbf16> to vector<64x99xbf16>
    %dot_general3A_180 = arith.constant dense<0.000000e+00> : vector<64x1024xf32>
    %dot_general3A_181 = tpu.matmul %slice3A_179, %concatenate3A_37, %dot_general3A_180 {dimension_numbers = #tpu.dot_dimension_numbers<[1], [0], [0], [1], [0, 0, 1, 1], [], []>, transpose_lhs_hint = false} : vector<64x99xbf16>, vector<99x1024xbf16>, vector<64x1024xf32> -> vector<64x1024xf32>
    %reduce_min3A_182 = arith.constant dense<0x7F800000> : vector<1024xf32>
    %reduce_min3A_183 = vector.multi_reduction <minimumf>, %dot_general3A_181, %reduce_min3A_182 [0] : vector<64x1024xf32> to vector<1024xf32>
    %broadcast_in_dim3A_184 = vector.shape_cast %reduce_min3A_183 : vector<1024xf32> to vector<1x1024xf32>
    %le3A_185 = vector.broadcast %broadcast_in_dim3A_184 : vector<1x1024xf32> to vector<64x1024xf32>
    %le3A_186 = arith.cmpf ole, %dot_general3A_181, %le3A_185 : vector<64x1024xf32>
    %jit3A_187 = arith.constant 1073741824 : i32
    %broadcast_in_dim3A_188 = vector.broadcast %jit3A_187 : i32 to vector<64x1024xi32>
    %select_n3A_189 = arith.select %le3A_186, %iota3A, %broadcast_in_dim3A_188 : vector<64x1024xi1>, vector<64x1024xi32>
    %reduce_min3A_190 = arith.constant dense<2147483647> : vector<1024xi32>
    %reduce_min3A_191 = vector.multi_reduction <minsi>, %select_n3A_189, %reduce_min3A_190 [0] : vector<64x1024xi32> to vector<1024xi32>
    %add3A_192 = arith.constant 512 : i32
    %add3A_193 = vector.broadcast %add3A_192 : i32 to vector<1024xi32>
    %add3A_194 = arith.addi %reduce_min3A_191, %add3A_193 : vector<1024xi32>
    %lt3A_195 = arith.cmpf olt, %reduce_min3A_183, %select_n3A_178 : vector<1024xf32>
    %select_n3A_196 = arith.select %lt3A_195, %add3A_194, %select_n3A_177 : vector<1024xi1>, vector<1024xi32>
    %select_n3A_197 = arith.select %lt3A_195, %reduce_min3A_183, %select_n3A_178 : vector<1024xi1>, vector<1024xf32>
    %slice3A_198 = vector.extract_strided_slice %concatenate3A_36 {offsets = [576, 0], sizes = [64, 99], strides = [1, 1]} : vector<4096x99xbf16> to vector<64x99xbf16>
    %dot_general3A_199 = arith.constant dense<0.000000e+00> : vector<64x1024xf32>
    %dot_general3A_200 = tpu.matmul %slice3A_198, %concatenate3A_37, %dot_general3A_199 {dimension_numbers = #tpu.dot_dimension_numbers<[1], [0], [0], [1], [0, 0, 1, 1], [], []>, transpose_lhs_hint = false} : vector<64x99xbf16>, vector<99x1024xbf16>, vector<64x1024xf32> -> vector<64x1024xf32>
    %reduce_min3A_201 = arith.constant dense<0x7F800000> : vector<1024xf32>
    %reduce_min3A_202 = vector.multi_reduction <minimumf>, %dot_general3A_200, %reduce_min3A_201 [0] : vector<64x1024xf32> to vector<1024xf32>
    %broadcast_in_dim3A_203 = vector.shape_cast %reduce_min3A_202 : vector<1024xf32> to vector<1x1024xf32>
    %le3A_204 = vector.broadcast %broadcast_in_dim3A_203 : vector<1x1024xf32> to vector<64x1024xf32>
    %le3A_205 = arith.cmpf ole, %dot_general3A_200, %le3A_204 : vector<64x1024xf32>
    %jit3A_206 = arith.constant 1073741824 : i32
    %broadcast_in_dim3A_207 = vector.broadcast %jit3A_206 : i32 to vector<64x1024xi32>
    %select_n3A_208 = arith.select %le3A_205, %iota3A, %broadcast_in_dim3A_207 : vector<64x1024xi1>, vector<64x1024xi32>
    %reduce_min3A_209 = arith.constant dense<2147483647> : vector<1024xi32>
    %reduce_min3A_210 = vector.multi_reduction <minsi>, %select_n3A_208, %reduce_min3A_209 [0] : vector<64x1024xi32> to vector<1024xi32>
    %add3A_211 = arith.constant 576 : i32
    %add3A_212 = vector.broadcast %add3A_211 : i32 to vector<1024xi32>
    %add3A_213 = arith.addi %reduce_min3A_210, %add3A_212 : vector<1024xi32>
    %lt3A_214 = arith.cmpf olt, %reduce_min3A_202, %select_n3A_197 : vector<1024xf32>
    %select_n3A_215 = arith.select %lt3A_214, %add3A_213, %select_n3A_196 : vector<1024xi1>, vector<1024xi32>
    %select_n3A_216 = arith.select %lt3A_214, %reduce_min3A_202, %select_n3A_197 : vector<1024xi1>, vector<1024xf32>
    %slice3A_217 = vector.extract_strided_slice %concatenate3A_36 {offsets = [640, 0], sizes = [64, 99], strides = [1, 1]} : vector<4096x99xbf16> to vector<64x99xbf16>
    %dot_general3A_218 = arith.constant dense<0.000000e+00> : vector<64x1024xf32>
    %dot_general3A_219 = tpu.matmul %slice3A_217, %concatenate3A_37, %dot_general3A_218 {dimension_numbers = #tpu.dot_dimension_numbers<[1], [0], [0], [1], [0, 0, 1, 1], [], []>, transpose_lhs_hint = false} : vector<64x99xbf16>, vector<99x1024xbf16>, vector<64x1024xf32> -> vector<64x1024xf32>
    %reduce_min3A_220 = arith.constant dense<0x7F800000> : vector<1024xf32>
    %reduce_min3A_221 = vector.multi_reduction <minimumf>, %dot_general3A_219, %reduce_min3A_220 [0] : vector<64x1024xf32> to vector<1024xf32>
    %broadcast_in_dim3A_222 = vector.shape_cast %reduce_min3A_221 : vector<1024xf32> to vector<1x1024xf32>
    %le3A_223 = vector.broadcast %broadcast_in_dim3A_222 : vector<1x1024xf32> to vector<64x1024xf32>
    %le3A_224 = arith.cmpf ole, %dot_general3A_219, %le3A_223 : vector<64x1024xf32>
    %jit3A_225 = arith.constant 1073741824 : i32
    %broadcast_in_dim3A_226 = vector.broadcast %jit3A_225 : i32 to vector<64x1024xi32>
    %select_n3A_227 = arith.select %le3A_224, %iota3A, %broadcast_in_dim3A_226 : vector<64x1024xi1>, vector<64x1024xi32>
    %reduce_min3A_228 = arith.constant dense<2147483647> : vector<1024xi32>
    %reduce_min3A_229 = vector.multi_reduction <minsi>, %select_n3A_227, %reduce_min3A_228 [0] : vector<64x1024xi32> to vector<1024xi32>
    %add3A_230 = arith.constant 640 : i32
    %add3A_231 = vector.broadcast %add3A_230 : i32 to vector<1024xi32>
    %add3A_232 = arith.addi %reduce_min3A_229, %add3A_231 : vector<1024xi32>
    %lt3A_233 = arith.cmpf olt, %reduce_min3A_221, %select_n3A_216 : vector<1024xf32>
    %select_n3A_234 = arith.select %lt3A_233, %add3A_232, %select_n3A_215 : vector<1024xi1>, vector<1024xi32>
    %select_n3A_235 = arith.select %lt3A_233, %reduce_min3A_221, %select_n3A_216 : vector<1024xi1>, vector<1024xf32>
    %slice3A_236 = vector.extract_strided_slice %concatenate3A_36 {offsets = [704, 0], sizes = [64, 99], strides = [1, 1]} : vector<4096x99xbf16> to vector<64x99xbf16>
    %dot_general3A_237 = arith.constant dense<0.000000e+00> : vector<64x1024xf32>
    %dot_general3A_238 = tpu.matmul %slice3A_236, %concatenate3A_37, %dot_general3A_237 {dimension_numbers = #tpu.dot_dimension_numbers<[1], [0], [0], [1], [0, 0, 1, 1], [], []>, transpose_lhs_hint = false} : vector<64x99xbf16>, vector<99x1024xbf16>, vector<64x1024xf32> -> vector<64x1024xf32>
    %reduce_min3A_239 = arith.constant dense<0x7F800000> : vector<1024xf32>
    %reduce_min3A_240 = vector.multi_reduction <minimumf>, %dot_general3A_238, %reduce_min3A_239 [0] : vector<64x1024xf32> to vector<1024xf32>
    %broadcast_in_dim3A_241 = vector.shape_cast %reduce_min3A_240 : vector<1024xf32> to vector<1x1024xf32>
    %le3A_242 = vector.broadcast %broadcast_in_dim3A_241 : vector<1x1024xf32> to vector<64x1024xf32>
    %le3A_243 = arith.cmpf ole, %dot_general3A_238, %le3A_242 : vector<64x1024xf32>
    %jit3A_244 = arith.constant 1073741824 : i32
    %broadcast_in_dim3A_245 = vector.broadcast %jit3A_244 : i32 to vector<64x1024xi32>
    %select_n3A_246 = arith.select %le3A_243, %iota3A, %broadcast_in_dim3A_245 : vector<64x1024xi1>, vector<64x1024xi32>
    %reduce_min3A_247 = arith.constant dense<2147483647> : vector<1024xi32>
    %reduce_min3A_248 = vector.multi_reduction <minsi>, %select_n3A_246, %reduce_min3A_247 [0] : vector<64x1024xi32> to vector<1024xi32>
    %add3A_249 = arith.constant 704 : i32
    %add3A_250 = vector.broadcast %add3A_249 : i32 to vector<1024xi32>
    %add3A_251 = arith.addi %reduce_min3A_248, %add3A_250 : vector<1024xi32>
    %lt3A_252 = arith.cmpf olt, %reduce_min3A_240, %select_n3A_235 : vector<1024xf32>
    %select_n3A_253 = arith.select %lt3A_252, %add3A_251, %select_n3A_234 : vector<1024xi1>, vector<1024xi32>
    %select_n3A_254 = arith.select %lt3A_252, %reduce_min3A_240, %select_n3A_235 : vector<1024xi1>, vector<1024xf32>
    %slice3A_255 = vector.extract_strided_slice %concatenate3A_36 {offsets = [768, 0], sizes = [64, 99], strides = [1, 1]} : vector<4096x99xbf16> to vector<64x99xbf16>
    %dot_general3A_256 = arith.constant dense<0.000000e+00> : vector<64x1024xf32>
    %dot_general3A_257 = tpu.matmul %slice3A_255, %concatenate3A_37, %dot_general3A_256 {dimension_numbers = #tpu.dot_dimension_numbers<[1], [0], [0], [1], [0, 0, 1, 1], [], []>, transpose_lhs_hint = false} : vector<64x99xbf16>, vector<99x1024xbf16>, vector<64x1024xf32> -> vector<64x1024xf32>
    %reduce_min3A_258 = arith.constant dense<0x7F800000> : vector<1024xf32>
    %reduce_min3A_259 = vector.multi_reduction <minimumf>, %dot_general3A_257, %reduce_min3A_258 [0] : vector<64x1024xf32> to vector<1024xf32>
    %broadcast_in_dim3A_260 = vector.shape_cast %reduce_min3A_259 : vector<1024xf32> to vector<1x1024xf32>
    %le3A_261 = vector.broadcast %broadcast_in_dim3A_260 : vector<1x1024xf32> to vector<64x1024xf32>
    %le3A_262 = arith.cmpf ole, %dot_general3A_257, %le3A_261 : vector<64x1024xf32>
    %jit3A_263 = arith.constant 1073741824 : i32
    %broadcast_in_dim3A_264 = vector.broadcast %jit3A_263 : i32 to vector<64x1024xi32>
    %select_n3A_265 = arith.select %le3A_262, %iota3A, %broadcast_in_dim3A_264 : vector<64x1024xi1>, vector<64x1024xi32>
    %reduce_min3A_266 = arith.constant dense<2147483647> : vector<1024xi32>
    %reduce_min3A_267 = vector.multi_reduction <minsi>, %select_n3A_265, %reduce_min3A_266 [0] : vector<64x1024xi32> to vector<1024xi32>
    %add3A_268 = arith.constant 768 : i32
    %add3A_269 = vector.broadcast %add3A_268 : i32 to vector<1024xi32>
    %add3A_270 = arith.addi %reduce_min3A_267, %add3A_269 : vector<1024xi32>
    %lt3A_271 = arith.cmpf olt, %reduce_min3A_259, %select_n3A_254 : vector<1024xf32>
    %select_n3A_272 = arith.select %lt3A_271, %add3A_270, %select_n3A_253 : vector<1024xi1>, vector<1024xi32>
    %select_n3A_273 = arith.select %lt3A_271, %reduce_min3A_259, %select_n3A_254 : vector<1024xi1>, vector<1024xf32>
    %slice3A_274 = vector.extract_strided_slice %concatenate3A_36 {offsets = [832, 0], sizes = [64, 99], strides = [1, 1]} : vector<4096x99xbf16> to vector<64x99xbf16>
    %dot_general3A_275 = arith.constant dense<0.000000e+00> : vector<64x1024xf32>
    %dot_general3A_276 = tpu.matmul %slice3A_274, %concatenate3A_37, %dot_general3A_275 {dimension_numbers = #tpu.dot_dimension_numbers<[1], [0], [0], [1], [0, 0, 1, 1], [], []>, transpose_lhs_hint = false} : vector<64x99xbf16>, vector<99x1024xbf16>, vector<64x1024xf32> -> vector<64x1024xf32>
    %reduce_min3A_277 = arith.constant dense<0x7F800000> : vector<1024xf32>
    %reduce_min3A_278 = vector.multi_reduction <minimumf>, %dot_general3A_276, %reduce_min3A_277 [0] : vector<64x1024xf32> to vector<1024xf32>
    %broadcast_in_dim3A_279 = vector.shape_cast %reduce_min3A_278 : vector<1024xf32> to vector<1x1024xf32>
    %le3A_280 = vector.broadcast %broadcast_in_dim3A_279 : vector<1x1024xf32> to vector<64x1024xf32>
    %le3A_281 = arith.cmpf ole, %dot_general3A_276, %le3A_280 : vector<64x1024xf32>
    %jit3A_282 = arith.constant 1073741824 : i32
    %broadcast_in_dim3A_283 = vector.broadcast %jit3A_282 : i32 to vector<64x1024xi32>
    %select_n3A_284 = arith.select %le3A_281, %iota3A, %broadcast_in_dim3A_283 : vector<64x1024xi1>, vector<64x1024xi32>
    %reduce_min3A_285 = arith.constant dense<2147483647> : vector<1024xi32>
    %reduce_min3A_286 = vector.multi_reduction <minsi>, %select_n3A_284, %reduce_min3A_285 [0] : vector<64x1024xi32> to vector<1024xi32>
    %add3A_287 = arith.constant 832 : i32
    %add3A_288 = vector.broadcast %add3A_287 : i32 to vector<1024xi32>
    %add3A_289 = arith.addi %reduce_min3A_286, %add3A_288 : vector<1024xi32>
    %lt3A_290 = arith.cmpf olt, %reduce_min3A_278, %select_n3A_273 : vector<1024xf32>
    %select_n3A_291 = arith.select %lt3A_290, %add3A_289, %select_n3A_272 : vector<1024xi1>, vector<1024xi32>
    %select_n3A_292 = arith.select %lt3A_290, %reduce_min3A_278, %select_n3A_273 : vector<1024xi1>, vector<1024xf32>
    %slice3A_293 = vector.extract_strided_slice %concatenate3A_36 {offsets = [896, 0], sizes = [64, 99], strides = [1, 1]} : vector<4096x99xbf16> to vector<64x99xbf16>
    %dot_general3A_294 = arith.constant dense<0.000000e+00> : vector<64x1024xf32>
    %dot_general3A_295 = tpu.matmul %slice3A_293, %concatenate3A_37, %dot_general3A_294 {dimension_numbers = #tpu.dot_dimension_numbers<[1], [0], [0], [1], [0, 0, 1, 1], [], []>, transpose_lhs_hint = false} : vector<64x99xbf16>, vector<99x1024xbf16>, vector<64x1024xf32> -> vector<64x1024xf32>
    %reduce_min3A_296 = arith.constant dense<0x7F800000> : vector<1024xf32>
    %reduce_min3A_297 = vector.multi_reduction <minimumf>, %dot_general3A_295, %reduce_min3A_296 [0] : vector<64x1024xf32> to vector<1024xf32>
    %broadcast_in_dim3A_298 = vector.shape_cast %reduce_min3A_297 : vector<1024xf32> to vector<1x1024xf32>
    %le3A_299 = vector.broadcast %broadcast_in_dim3A_298 : vector<1x1024xf32> to vector<64x1024xf32>
    %le3A_300 = arith.cmpf ole, %dot_general3A_295, %le3A_299 : vector<64x1024xf32>
    %jit3A_301 = arith.constant 1073741824 : i32
    %broadcast_in_dim3A_302 = vector.broadcast %jit3A_301 : i32 to vector<64x1024xi32>
    %select_n3A_303 = arith.select %le3A_300, %iota3A, %broadcast_in_dim3A_302 : vector<64x1024xi1>, vector<64x1024xi32>
    %reduce_min3A_304 = arith.constant dense<2147483647> : vector<1024xi32>
    %reduce_min3A_305 = vector.multi_reduction <minsi>, %select_n3A_303, %reduce_min3A_304 [0] : vector<64x1024xi32> to vector<1024xi32>
    %add3A_306 = arith.constant 896 : i32
    %add3A_307 = vector.broadcast %add3A_306 : i32 to vector<1024xi32>
    %add3A_308 = arith.addi %reduce_min3A_305, %add3A_307 : vector<1024xi32>
    %lt3A_309 = arith.cmpf olt, %reduce_min3A_297, %select_n3A_292 : vector<1024xf32>
    %select_n3A_310 = arith.select %lt3A_309, %add3A_308, %select_n3A_291 : vector<1024xi1>, vector<1024xi32>
    %select_n3A_311 = arith.select %lt3A_309, %reduce_min3A_297, %select_n3A_292 : vector<1024xi1>, vector<1024xf32>
    %slice3A_312 = vector.extract_strided_slice %concatenate3A_36 {offsets = [960, 0], sizes = [64, 99], strides = [1, 1]} : vector<4096x99xbf16> to vector<64x99xbf16>
    %dot_general3A_313 = arith.constant dense<0.000000e+00> : vector<64x1024xf32>
    %dot_general3A_314 = tpu.matmul %slice3A_312, %concatenate3A_37, %dot_general3A_313 {dimension_numbers = #tpu.dot_dimension_numbers<[1], [0], [0], [1], [0, 0, 1, 1], [], []>, transpose_lhs_hint = false} : vector<64x99xbf16>, vector<99x1024xbf16>, vector<64x1024xf32> -> vector<64x1024xf32>
    %reduce_min3A_315 = arith.constant dense<0x7F800000> : vector<1024xf32>
    %reduce_min3A_316 = vector.multi_reduction <minimumf>, %dot_general3A_314, %reduce_min3A_315 [0] : vector<64x1024xf32> to vector<1024xf32>
    %broadcast_in_dim3A_317 = vector.shape_cast %reduce_min3A_316 : vector<1024xf32> to vector<1x1024xf32>
    %le3A_318 = vector.broadcast %broadcast_in_dim3A_317 : vector<1x1024xf32> to vector<64x1024xf32>
    %le3A_319 = arith.cmpf ole, %dot_general3A_314, %le3A_318 : vector<64x1024xf32>
    %jit3A_320 = arith.constant 1073741824 : i32
    %broadcast_in_dim3A_321 = vector.broadcast %jit3A_320 : i32 to vector<64x1024xi32>
    %select_n3A_322 = arith.select %le3A_319, %iota3A, %broadcast_in_dim3A_321 : vector<64x1024xi1>, vector<64x1024xi32>
    %reduce_min3A_323 = arith.constant dense<2147483647> : vector<1024xi32>
    %reduce_min3A_324 = vector.multi_reduction <minsi>, %select_n3A_322, %reduce_min3A_323 [0] : vector<64x1024xi32> to vector<1024xi32>
    %add3A_325 = arith.constant 960 : i32
    %add3A_326 = vector.broadcast %add3A_325 : i32 to vector<1024xi32>
    %add3A_327 = arith.addi %reduce_min3A_324, %add3A_326 : vector<1024xi32>
    %lt3A_328 = arith.cmpf olt, %reduce_min3A_316, %select_n3A_311 : vector<1024xf32>
    %select_n3A_329 = arith.select %lt3A_328, %add3A_327, %select_n3A_310 : vector<1024xi1>, vector<1024xi32>
    %select_n3A_330 = arith.select %lt3A_328, %reduce_min3A_316, %select_n3A_311 : vector<1024xi1>, vector<1024xf32>
    %slice3A_331 = vector.extract_strided_slice %concatenate3A_36 {offsets = [1024, 0], sizes = [64, 99], strides = [1, 1]} : vector<4096x99xbf16> to vector<64x99xbf16>
    %dot_general3A_332 = arith.constant dense<0.000000e+00> : vector<64x1024xf32>
    %dot_general3A_333 = tpu.matmul %slice3A_331, %concatenate3A_37, %dot_general3A_332 {dimension_numbers = #tpu.dot_dimension_numbers<[1], [0], [0], [1], [0, 0, 1, 1], [], []>, transpose_lhs_hint = false} : vector<64x99xbf16>, vector<99x1024xbf16>, vector<64x1024xf32> -> vector<64x1024xf32>
    %reduce_min3A_334 = arith.constant dense<0x7F800000> : vector<1024xf32>
    %reduce_min3A_335 = vector.multi_reduction <minimumf>, %dot_general3A_333, %reduce_min3A_334 [0] : vector<64x1024xf32> to vector<1024xf32>
    %broadcast_in_dim3A_336 = vector.shape_cast %reduce_min3A_335 : vector<1024xf32> to vector<1x1024xf32>
    %le3A_337 = vector.broadcast %broadcast_in_dim3A_336 : vector<1x1024xf32> to vector<64x1024xf32>
    %le3A_338 = arith.cmpf ole, %dot_general3A_333, %le3A_337 : vector<64x1024xf32>
    %jit3A_339 = arith.constant 1073741824 : i32
    %broadcast_in_dim3A_340 = vector.broadcast %jit3A_339 : i32 to vector<64x1024xi32>
    %select_n3A_341 = arith.select %le3A_338, %iota3A, %broadcast_in_dim3A_340 : vector<64x1024xi1>, vector<64x1024xi32>
    %reduce_min3A_342 = arith.constant dense<2147483647> : vector<1024xi32>
    %reduce_min3A_343 = vector.multi_reduction <minsi>, %select_n3A_341, %reduce_min3A_342 [0] : vector<64x1024xi32> to vector<1024xi32>
    %add3A_344 = arith.constant 1024 : i32
    %add3A_345 = vector.broadcast %add3A_344 : i32 to vector<1024xi32>
    %add3A_346 = arith.addi %reduce_min3A_343, %add3A_345 : vector<1024xi32>
    %lt3A_347 = arith.cmpf olt, %reduce_min3A_335, %select_n3A_330 : vector<1024xf32>
    %select_n3A_348 = arith.select %lt3A_347, %add3A_346, %select_n3A_329 : vector<1024xi1>, vector<1024xi32>
    %select_n3A_349 = arith.select %lt3A_347, %reduce_min3A_335, %select_n3A_330 : vector<1024xi1>, vector<1024xf32>
    %slice3A_350 = vector.extract_strided_slice %concatenate3A_36 {offsets = [1088, 0], sizes = [64, 99], strides = [1, 1]} : vector<4096x99xbf16> to vector<64x99xbf16>
    %dot_general3A_351 = arith.constant dense<0.000000e+00> : vector<64x1024xf32>
    %dot_general3A_352 = tpu.matmul %slice3A_350, %concatenate3A_37, %dot_general3A_351 {dimension_numbers = #tpu.dot_dimension_numbers<[1], [0], [0], [1], [0, 0, 1, 1], [], []>, transpose_lhs_hint = false} : vector<64x99xbf16>, vector<99x1024xbf16>, vector<64x1024xf32> -> vector<64x1024xf32>
    %reduce_min3A_353 = arith.constant dense<0x7F800000> : vector<1024xf32>
    %reduce_min3A_354 = vector.multi_reduction <minimumf>, %dot_general3A_352, %reduce_min3A_353 [0] : vector<64x1024xf32> to vector<1024xf32>
    %broadcast_in_dim3A_355 = vector.shape_cast %reduce_min3A_354 : vector<1024xf32> to vector<1x1024xf32>
    %le3A_356 = vector.broadcast %broadcast_in_dim3A_355 : vector<1x1024xf32> to vector<64x1024xf32>
    %le3A_357 = arith.cmpf ole, %dot_general3A_352, %le3A_356 : vector<64x1024xf32>
    %jit3A_358 = arith.constant 1073741824 : i32
    %broadcast_in_dim3A_359 = vector.broadcast %jit3A_358 : i32 to vector<64x1024xi32>
    %select_n3A_360 = arith.select %le3A_357, %iota3A, %broadcast_in_dim3A_359 : vector<64x1024xi1>, vector<64x1024xi32>
    %reduce_min3A_361 = arith.constant dense<2147483647> : vector<1024xi32>
    %reduce_min3A_362 = vector.multi_reduction <minsi>, %select_n3A_360, %reduce_min3A_361 [0] : vector<64x1024xi32> to vector<1024xi32>
    %add3A_363 = arith.constant 1088 : i32
    %add3A_364 = vector.broadcast %add3A_363 : i32 to vector<1024xi32>
    %add3A_365 = arith.addi %reduce_min3A_362, %add3A_364 : vector<1024xi32>
    %lt3A_366 = arith.cmpf olt, %reduce_min3A_354, %select_n3A_349 : vector<1024xf32>
    %select_n3A_367 = arith.select %lt3A_366, %add3A_365, %select_n3A_348 : vector<1024xi1>, vector<1024xi32>
    %select_n3A_368 = arith.select %lt3A_366, %reduce_min3A_354, %select_n3A_349 : vector<1024xi1>, vector<1024xf32>
    %slice3A_369 = vector.extract_strided_slice %concatenate3A_36 {offsets = [1152, 0], sizes = [64, 99], strides = [1, 1]} : vector<4096x99xbf16> to vector<64x99xbf16>
    %dot_general3A_370 = arith.constant dense<0.000000e+00> : vector<64x1024xf32>
    %dot_general3A_371 = tpu.matmul %slice3A_369, %concatenate3A_37, %dot_general3A_370 {dimension_numbers = #tpu.dot_dimension_numbers<[1], [0], [0], [1], [0, 0, 1, 1], [], []>, transpose_lhs_hint = false} : vector<64x99xbf16>, vector<99x1024xbf16>, vector<64x1024xf32> -> vector<64x1024xf32>
    %reduce_min3A_372 = arith.constant dense<0x7F800000> : vector<1024xf32>
    %reduce_min3A_373 = vector.multi_reduction <minimumf>, %dot_general3A_371, %reduce_min3A_372 [0] : vector<64x1024xf32> to vector<1024xf32>
    %broadcast_in_dim3A_374 = vector.shape_cast %reduce_min3A_373 : vector<1024xf32> to vector<1x1024xf32>
    %le3A_375 = vector.broadcast %broadcast_in_dim3A_374 : vector<1x1024xf32> to vector<64x1024xf32>
    %le3A_376 = arith.cmpf ole, %dot_general3A_371, %le3A_375 : vector<64x1024xf32>
    %jit3A_377 = arith.constant 1073741824 : i32
    %broadcast_in_dim3A_378 = vector.broadcast %jit3A_377 : i32 to vector<64x1024xi32>
    %select_n3A_379 = arith.select %le3A_376, %iota3A, %broadcast_in_dim3A_378 : vector<64x1024xi1>, vector<64x1024xi32>
    %reduce_min3A_380 = arith.constant dense<2147483647> : vector<1024xi32>
    %reduce_min3A_381 = vector.multi_reduction <minsi>, %select_n3A_379, %reduce_min3A_380 [0] : vector<64x1024xi32> to vector<1024xi32>
    %add3A_382 = arith.constant 1152 : i32
    %add3A_383 = vector.broadcast %add3A_382 : i32 to vector<1024xi32>
    %add3A_384 = arith.addi %reduce_min3A_381, %add3A_383 : vector<1024xi32>
    %lt3A_385 = arith.cmpf olt, %reduce_min3A_373, %select_n3A_368 : vector<1024xf32>
    %select_n3A_386 = arith.select %lt3A_385, %add3A_384, %select_n3A_367 : vector<1024xi1>, vector<1024xi32>
    %select_n3A_387 = arith.select %lt3A_385, %reduce_min3A_373, %select_n3A_368 : vector<1024xi1>, vector<1024xf32>
    %slice3A_388 = vector.extract_strided_slice %concatenate3A_36 {offsets = [1216, 0], sizes = [64, 99], strides = [1, 1]} : vector<4096x99xbf16> to vector<64x99xbf16>
    %dot_general3A_389 = arith.constant dense<0.000000e+00> : vector<64x1024xf32>
    %dot_general3A_390 = tpu.matmul %slice3A_388, %concatenate3A_37, %dot_general3A_389 {dimension_numbers = #tpu.dot_dimension_numbers<[1], [0], [0], [1], [0, 0, 1, 1], [], []>, transpose_lhs_hint = false} : vector<64x99xbf16>, vector<99x1024xbf16>, vector<64x1024xf32> -> vector<64x1024xf32>
    %reduce_min3A_391 = arith.constant dense<0x7F800000> : vector<1024xf32>
    %reduce_min3A_392 = vector.multi_reduction <minimumf>, %dot_general3A_390, %reduce_min3A_391 [0] : vector<64x1024xf32> to vector<1024xf32>
    %broadcast_in_dim3A_393 = vector.shape_cast %reduce_min3A_392 : vector<1024xf32> to vector<1x1024xf32>
    %le3A_394 = vector.broadcast %broadcast_in_dim3A_393 : vector<1x1024xf32> to vector<64x1024xf32>
    %le3A_395 = arith.cmpf ole, %dot_general3A_390, %le3A_394 : vector<64x1024xf32>
    %jit3A_396 = arith.constant 1073741824 : i32
    %broadcast_in_dim3A_397 = vector.broadcast %jit3A_396 : i32 to vector<64x1024xi32>
    %select_n3A_398 = arith.select %le3A_395, %iota3A, %broadcast_in_dim3A_397 : vector<64x1024xi1>, vector<64x1024xi32>
    %reduce_min3A_399 = arith.constant dense<2147483647> : vector<1024xi32>
    %reduce_min3A_400 = vector.multi_reduction <minsi>, %select_n3A_398, %reduce_min3A_399 [0] : vector<64x1024xi32> to vector<1024xi32>
    %add3A_401 = arith.constant 1216 : i32
    %add3A_402 = vector.broadcast %add3A_401 : i32 to vector<1024xi32>
    %add3A_403 = arith.addi %reduce_min3A_400, %add3A_402 : vector<1024xi32>
    %lt3A_404 = arith.cmpf olt, %reduce_min3A_392, %select_n3A_387 : vector<1024xf32>
    %select_n3A_405 = arith.select %lt3A_404, %add3A_403, %select_n3A_386 : vector<1024xi1>, vector<1024xi32>
    %select_n3A_406 = arith.select %lt3A_404, %reduce_min3A_392, %select_n3A_387 : vector<1024xi1>, vector<1024xf32>
    %slice3A_407 = vector.extract_strided_slice %concatenate3A_36 {offsets = [1280, 0], sizes = [64, 99], strides = [1, 1]} : vector<4096x99xbf16> to vector<64x99xbf16>
    %dot_general3A_408 = arith.constant dense<0.000000e+00> : vector<64x1024xf32>
    %dot_general3A_409 = tpu.matmul %slice3A_407, %concatenate3A_37, %dot_general3A_408 {dimension_numbers = #tpu.dot_dimension_numbers<[1], [0], [0], [1], [0, 0, 1, 1], [], []>, transpose_lhs_hint = false} : vector<64x99xbf16>, vector<99x1024xbf16>, vector<64x1024xf32> -> vector<64x1024xf32>
    %reduce_min3A_410 = arith.constant dense<0x7F800000> : vector<1024xf32>
    %reduce_min3A_411 = vector.multi_reduction <minimumf>, %dot_general3A_409, %reduce_min3A_410 [0] : vector<64x1024xf32> to vector<1024xf32>
    %broadcast_in_dim3A_412 = vector.shape_cast %reduce_min3A_411 : vector<1024xf32> to vector<1x1024xf32>
    %le3A_413 = vector.broadcast %broadcast_in_dim3A_412 : vector<1x1024xf32> to vector<64x1024xf32>
    %le3A_414 = arith.cmpf ole, %dot_general3A_409, %le3A_413 : vector<64x1024xf32>
    %jit3A_415 = arith.constant 1073741824 : i32
    %broadcast_in_dim3A_416 = vector.broadcast %jit3A_415 : i32 to vector<64x1024xi32>
    %select_n3A_417 = arith.select %le3A_414, %iota3A, %broadcast_in_dim3A_416 : vector<64x1024xi1>, vector<64x1024xi32>
    %reduce_min3A_418 = arith.constant dense<2147483647> : vector<1024xi32>
    %reduce_min3A_419 = vector.multi_reduction <minsi>, %select_n3A_417, %reduce_min3A_418 [0] : vector<64x1024xi32> to vector<1024xi32>
    %add3A_420 = arith.constant 1280 : i32
    %add3A_421 = vector.broadcast %add3A_420 : i32 to vector<1024xi32>
    %add3A_422 = arith.addi %reduce_min3A_419, %add3A_421 : vector<1024xi32>
    %lt3A_423 = arith.cmpf olt, %reduce_min3A_411, %select_n3A_406 : vector<1024xf32>
    %select_n3A_424 = arith.select %lt3A_423, %add3A_422, %select_n3A_405 : vector<1024xi1>, vector<1024xi32>
    %select_n3A_425 = arith.select %lt3A_423, %reduce_min3A_411, %select_n3A_406 : vector<1024xi1>, vector<1024xf32>
    %slice3A_426 = vector.extract_strided_slice %concatenate3A_36 {offsets = [1344, 0], sizes = [64, 99], strides = [1, 1]} : vector<4096x99xbf16> to vector<64x99xbf16>
    %dot_general3A_427 = arith.constant dense<0.000000e+00> : vector<64x1024xf32>
    %dot_general3A_428 = tpu.matmul %slice3A_426, %concatenate3A_37, %dot_general3A_427 {dimension_numbers = #tpu.dot_dimension_numbers<[1], [0], [0], [1], [0, 0, 1, 1], [], []>, transpose_lhs_hint = false} : vector<64x99xbf16>, vector<99x1024xbf16>, vector<64x1024xf32> -> vector<64x1024xf32>
    %reduce_min3A_429 = arith.constant dense<0x7F800000> : vector<1024xf32>
    %reduce_min3A_430 = vector.multi_reduction <minimumf>, %dot_general3A_428, %reduce_min3A_429 [0] : vector<64x1024xf32> to vector<1024xf32>
    %broadcast_in_dim3A_431 = vector.shape_cast %reduce_min3A_430 : vector<1024xf32> to vector<1x1024xf32>
    %le3A_432 = vector.broadcast %broadcast_in_dim3A_431 : vector<1x1024xf32> to vector<64x1024xf32>
    %le3A_433 = arith.cmpf ole, %dot_general3A_428, %le3A_432 : vector<64x1024xf32>
    %jit3A_434 = arith.constant 1073741824 : i32
    %broadcast_in_dim3A_435 = vector.broadcast %jit3A_434 : i32 to vector<64x1024xi32>
    %select_n3A_436 = arith.select %le3A_433, %iota3A, %broadcast_in_dim3A_435 : vector<64x1024xi1>, vector<64x1024xi32>
    %reduce_min3A_437 = arith.constant dense<2147483647> : vector<1024xi32>
    %reduce_min3A_438 = vector.multi_reduction <minsi>, %select_n3A_436, %reduce_min3A_437 [0] : vector<64x1024xi32> to vector<1024xi32>
    %add3A_439 = arith.constant 1344 : i32
    %add3A_440 = vector.broadcast %add3A_439 : i32 to vector<1024xi32>
    %add3A_441 = arith.addi %reduce_min3A_438, %add3A_440 : vector<1024xi32>
    %lt3A_442 = arith.cmpf olt, %reduce_min3A_430, %select_n3A_425 : vector<1024xf32>
    %select_n3A_443 = arith.select %lt3A_442, %add3A_441, %select_n3A_424 : vector<1024xi1>, vector<1024xi32>
    %select_n3A_444 = arith.select %lt3A_442, %reduce_min3A_430, %select_n3A_425 : vector<1024xi1>, vector<1024xf32>
    %slice3A_445 = vector.extract_strided_slice %concatenate3A_36 {offsets = [1408, 0], sizes = [64, 99], strides = [1, 1]} : vector<4096x99xbf16> to vector<64x99xbf16>
    %dot_general3A_446 = arith.constant dense<0.000000e+00> : vector<64x1024xf32>
    %dot_general3A_447 = tpu.matmul %slice3A_445, %concatenate3A_37, %dot_general3A_446 {dimension_numbers = #tpu.dot_dimension_numbers<[1], [0], [0], [1], [0, 0, 1, 1], [], []>, transpose_lhs_hint = false} : vector<64x99xbf16>, vector<99x1024xbf16>, vector<64x1024xf32> -> vector<64x1024xf32>
    %reduce_min3A_448 = arith.constant dense<0x7F800000> : vector<1024xf32>
    %reduce_min3A_449 = vector.multi_reduction <minimumf>, %dot_general3A_447, %reduce_min3A_448 [0] : vector<64x1024xf32> to vector<1024xf32>
    %broadcast_in_dim3A_450 = vector.shape_cast %reduce_min3A_449 : vector<1024xf32> to vector<1x1024xf32>
    %le3A_451 = vector.broadcast %broadcast_in_dim3A_450 : vector<1x1024xf32> to vector<64x1024xf32>
    %le3A_452 = arith.cmpf ole, %dot_general3A_447, %le3A_451 : vector<64x1024xf32>
    %jit3A_453 = arith.constant 1073741824 : i32
    %broadcast_in_dim3A_454 = vector.broadcast %jit3A_453 : i32 to vector<64x1024xi32>
    %select_n3A_455 = arith.select %le3A_452, %iota3A, %broadcast_in_dim3A_454 : vector<64x1024xi1>, vector<64x1024xi32>
    %reduce_min3A_456 = arith.constant dense<2147483647> : vector<1024xi32>
    %reduce_min3A_457 = vector.multi_reduction <minsi>, %select_n3A_455, %reduce_min3A_456 [0] : vector<64x1024xi32> to vector<1024xi32>
    %add3A_458 = arith.constant 1408 : i32
    %add3A_459 = vector.broadcast %add3A_458 : i32 to vector<1024xi32>
    %add3A_460 = arith.addi %reduce_min3A_457, %add3A_459 : vector<1024xi32>
    %lt3A_461 = arith.cmpf olt, %reduce_min3A_449, %select_n3A_444 : vector<1024xf32>
    %select_n3A_462 = arith.select %lt3A_461, %add3A_460, %select_n3A_443 : vector<1024xi1>, vector<1024xi32>
    %select_n3A_463 = arith.select %lt3A_461, %reduce_min3A_449, %select_n3A_444 : vector<1024xi1>, vector<1024xf32>
    %slice3A_464 = vector.extract_strided_slice %concatenate3A_36 {offsets = [1472, 0], sizes = [64, 99], strides = [1, 1]} : vector<4096x99xbf16> to vector<64x99xbf16>
    %dot_general3A_465 = arith.constant dense<0.000000e+00> : vector<64x1024xf32>
    %dot_general3A_466 = tpu.matmul %slice3A_464, %concatenate3A_37, %dot_general3A_465 {dimension_numbers = #tpu.dot_dimension_numbers<[1], [0], [0], [1], [0, 0, 1, 1], [], []>, transpose_lhs_hint = false} : vector<64x99xbf16>, vector<99x1024xbf16>, vector<64x1024xf32> -> vector<64x1024xf32>
    %reduce_min3A_467 = arith.constant dense<0x7F800000> : vector<1024xf32>
    %reduce_min3A_468 = vector.multi_reduction <minimumf>, %dot_general3A_466, %reduce_min3A_467 [0] : vector<64x1024xf32> to vector<1024xf32>
    %broadcast_in_dim3A_469 = vector.shape_cast %reduce_min3A_468 : vector<1024xf32> to vector<1x1024xf32>
    %le3A_470 = vector.broadcast %broadcast_in_dim3A_469 : vector<1x1024xf32> to vector<64x1024xf32>
    %le3A_471 = arith.cmpf ole, %dot_general3A_466, %le3A_470 : vector<64x1024xf32>
    %jit3A_472 = arith.constant 1073741824 : i32
    %broadcast_in_dim3A_473 = vector.broadcast %jit3A_472 : i32 to vector<64x1024xi32>
    %select_n3A_474 = arith.select %le3A_471, %iota3A, %broadcast_in_dim3A_473 : vector<64x1024xi1>, vector<64x1024xi32>
    %reduce_min3A_475 = arith.constant dense<2147483647> : vector<1024xi32>
    %reduce_min3A_476 = vector.multi_reduction <minsi>, %select_n3A_474, %reduce_min3A_475 [0] : vector<64x1024xi32> to vector<1024xi32>
    %add3A_477 = arith.constant 1472 : i32
    %add3A_478 = vector.broadcast %add3A_477 : i32 to vector<1024xi32>
    %add3A_479 = arith.addi %reduce_min3A_476, %add3A_478 : vector<1024xi32>
    %lt3A_480 = arith.cmpf olt, %reduce_min3A_468, %select_n3A_463 : vector<1024xf32>
    %select_n3A_481 = arith.select %lt3A_480, %add3A_479, %select_n3A_462 : vector<1024xi1>, vector<1024xi32>
    %select_n3A_482 = arith.select %lt3A_480, %reduce_min3A_468, %select_n3A_463 : vector<1024xi1>, vector<1024xf32>
    %slice3A_483 = vector.extract_strided_slice %concatenate3A_36 {offsets = [1536, 0], sizes = [64, 99], strides = [1, 1]} : vector<4096x99xbf16> to vector<64x99xbf16>
    %dot_general3A_484 = arith.constant dense<0.000000e+00> : vector<64x1024xf32>
    %dot_general3A_485 = tpu.matmul %slice3A_483, %concatenate3A_37, %dot_general3A_484 {dimension_numbers = #tpu.dot_dimension_numbers<[1], [0], [0], [1], [0, 0, 1, 1], [], []>, transpose_lhs_hint = false} : vector<64x99xbf16>, vector<99x1024xbf16>, vector<64x1024xf32> -> vector<64x1024xf32>
    %reduce_min3A_486 = arith.constant dense<0x7F800000> : vector<1024xf32>
    %reduce_min3A_487 = vector.multi_reduction <minimumf>, %dot_general3A_485, %reduce_min3A_486 [0] : vector<64x1024xf32> to vector<1024xf32>
    %broadcast_in_dim3A_488 = vector.shape_cast %reduce_min3A_487 : vector<1024xf32> to vector<1x1024xf32>
    %le3A_489 = vector.broadcast %broadcast_in_dim3A_488 : vector<1x1024xf32> to vector<64x1024xf32>
    %le3A_490 = arith.cmpf ole, %dot_general3A_485, %le3A_489 : vector<64x1024xf32>
    %jit3A_491 = arith.constant 1073741824 : i32
    %broadcast_in_dim3A_492 = vector.broadcast %jit3A_491 : i32 to vector<64x1024xi32>
    %select_n3A_493 = arith.select %le3A_490, %iota3A, %broadcast_in_dim3A_492 : vector<64x1024xi1>, vector<64x1024xi32>
    %reduce_min3A_494 = arith.constant dense<2147483647> : vector<1024xi32>
    %reduce_min3A_495 = vector.multi_reduction <minsi>, %select_n3A_493, %reduce_min3A_494 [0] : vector<64x1024xi32> to vector<1024xi32>
    %add3A_496 = arith.constant 1536 : i32
    %add3A_497 = vector.broadcast %add3A_496 : i32 to vector<1024xi32>
    %add3A_498 = arith.addi %reduce_min3A_495, %add3A_497 : vector<1024xi32>
    %lt3A_499 = arith.cmpf olt, %reduce_min3A_487, %select_n3A_482 : vector<1024xf32>
    %select_n3A_500 = arith.select %lt3A_499, %add3A_498, %select_n3A_481 : vector<1024xi1>, vector<1024xi32>
    %select_n3A_501 = arith.select %lt3A_499, %reduce_min3A_487, %select_n3A_482 : vector<1024xi1>, vector<1024xf32>
    %slice3A_502 = vector.extract_strided_slice %concatenate3A_36 {offsets = [1600, 0], sizes = [64, 99], strides = [1, 1]} : vector<4096x99xbf16> to vector<64x99xbf16>
    %dot_general3A_503 = arith.constant dense<0.000000e+00> : vector<64x1024xf32>
    %dot_general3A_504 = tpu.matmul %slice3A_502, %concatenate3A_37, %dot_general3A_503 {dimension_numbers = #tpu.dot_dimension_numbers<[1], [0], [0], [1], [0, 0, 1, 1], [], []>, transpose_lhs_hint = false} : vector<64x99xbf16>, vector<99x1024xbf16>, vector<64x1024xf32> -> vector<64x1024xf32>
    %reduce_min3A_505 = arith.constant dense<0x7F800000> : vector<1024xf32>
    %reduce_min3A_506 = vector.multi_reduction <minimumf>, %dot_general3A_504, %reduce_min3A_505 [0] : vector<64x1024xf32> to vector<1024xf32>
    %broadcast_in_dim3A_507 = vector.shape_cast %reduce_min3A_506 : vector<1024xf32> to vector<1x1024xf32>
    %le3A_508 = vector.broadcast %broadcast_in_dim3A_507 : vector<1x1024xf32> to vector<64x1024xf32>
    %le3A_509 = arith.cmpf ole, %dot_general3A_504, %le3A_508 : vector<64x1024xf32>
    %jit3A_510 = arith.constant 1073741824 : i32
    %broadcast_in_dim3A_511 = vector.broadcast %jit3A_510 : i32 to vector<64x1024xi32>
    %select_n3A_512 = arith.select %le3A_509, %iota3A, %broadcast_in_dim3A_511 : vector<64x1024xi1>, vector<64x1024xi32>
    %reduce_min3A_513 = arith.constant dense<2147483647> : vector<1024xi32>
    %reduce_min3A_514 = vector.multi_reduction <minsi>, %select_n3A_512, %reduce_min3A_513 [0] : vector<64x1024xi32> to vector<1024xi32>
    %add3A_515 = arith.constant 1600 : i32
    %add3A_516 = vector.broadcast %add3A_515 : i32 to vector<1024xi32>
    %add3A_517 = arith.addi %reduce_min3A_514, %add3A_516 : vector<1024xi32>
    %lt3A_518 = arith.cmpf olt, %reduce_min3A_506, %select_n3A_501 : vector<1024xf32>
    %select_n3A_519 = arith.select %lt3A_518, %add3A_517, %select_n3A_500 : vector<1024xi1>, vector<1024xi32>
    %select_n3A_520 = arith.select %lt3A_518, %reduce_min3A_506, %select_n3A_501 : vector<1024xi1>, vector<1024xf32>
    %slice3A_521 = vector.extract_strided_slice %concatenate3A_36 {offsets = [1664, 0], sizes = [64, 99], strides = [1, 1]} : vector<4096x99xbf16> to vector<64x99xbf16>
    %dot_general3A_522 = arith.constant dense<0.000000e+00> : vector<64x1024xf32>
    %dot_general3A_523 = tpu.matmul %slice3A_521, %concatenate3A_37, %dot_general3A_522 {dimension_numbers = #tpu.dot_dimension_numbers<[1], [0], [0], [1], [0, 0, 1, 1], [], []>, transpose_lhs_hint = false} : vector<64x99xbf16>, vector<99x1024xbf16>, vector<64x1024xf32> -> vector<64x1024xf32>
    %reduce_min3A_524 = arith.constant dense<0x7F800000> : vector<1024xf32>
    %reduce_min3A_525 = vector.multi_reduction <minimumf>, %dot_general3A_523, %reduce_min3A_524 [0] : vector<64x1024xf32> to vector<1024xf32>
    %broadcast_in_dim3A_526 = vector.shape_cast %reduce_min3A_525 : vector<1024xf32> to vector<1x1024xf32>
    %le3A_527 = vector.broadcast %broadcast_in_dim3A_526 : vector<1x1024xf32> to vector<64x1024xf32>
    %le3A_528 = arith.cmpf ole, %dot_general3A_523, %le3A_527 : vector<64x1024xf32>
    %jit3A_529 = arith.constant 1073741824 : i32
    %broadcast_in_dim3A_530 = vector.broadcast %jit3A_529 : i32 to vector<64x1024xi32>
    %select_n3A_531 = arith.select %le3A_528, %iota3A, %broadcast_in_dim3A_530 : vector<64x1024xi1>, vector<64x1024xi32>
    %reduce_min3A_532 = arith.constant dense<2147483647> : vector<1024xi32>
    %reduce_min3A_533 = vector.multi_reduction <minsi>, %select_n3A_531, %reduce_min3A_532 [0] : vector<64x1024xi32> to vector<1024xi32>
    %add3A_534 = arith.constant 1664 : i32
    %add3A_535 = vector.broadcast %add3A_534 : i32 to vector<1024xi32>
    %add3A_536 = arith.addi %reduce_min3A_533, %add3A_535 : vector<1024xi32>
    %lt3A_537 = arith.cmpf olt, %reduce_min3A_525, %select_n3A_520 : vector<1024xf32>
    %select_n3A_538 = arith.select %lt3A_537, %add3A_536, %select_n3A_519 : vector<1024xi1>, vector<1024xi32>
    %select_n3A_539 = arith.select %lt3A_537, %reduce_min3A_525, %select_n3A_520 : vector<1024xi1>, vector<1024xf32>
    %slice3A_540 = vector.extract_strided_slice %concatenate3A_36 {offsets = [1728, 0], sizes = [64, 99], strides = [1, 1]} : vector<4096x99xbf16> to vector<64x99xbf16>
    %dot_general3A_541 = arith.constant dense<0.000000e+00> : vector<64x1024xf32>
    %dot_general3A_542 = tpu.matmul %slice3A_540, %concatenate3A_37, %dot_general3A_541 {dimension_numbers = #tpu.dot_dimension_numbers<[1], [0], [0], [1], [0, 0, 1, 1], [], []>, transpose_lhs_hint = false} : vector<64x99xbf16>, vector<99x1024xbf16>, vector<64x1024xf32> -> vector<64x1024xf32>
    %reduce_min3A_543 = arith.constant dense<0x7F800000> : vector<1024xf32>
    %reduce_min3A_544 = vector.multi_reduction <minimumf>, %dot_general3A_542, %reduce_min3A_543 [0] : vector<64x1024xf32> to vector<1024xf32>
    %broadcast_in_dim3A_545 = vector.shape_cast %reduce_min3A_544 : vector<1024xf32> to vector<1x1024xf32>
    %le3A_546 = vector.broadcast %broadcast_in_dim3A_545 : vector<1x1024xf32> to vector<64x1024xf32>
    %le3A_547 = arith.cmpf ole, %dot_general3A_542, %le3A_546 : vector<64x1024xf32>
    %jit3A_548 = arith.constant 1073741824 : i32
    %broadcast_in_dim3A_549 = vector.broadcast %jit3A_548 : i32 to vector<64x1024xi32>
    %select_n3A_550 = arith.select %le3A_547, %iota3A, %broadcast_in_dim3A_549 : vector<64x1024xi1>, vector<64x1024xi32>
    %reduce_min3A_551 = arith.constant dense<2147483647> : vector<1024xi32>
    %reduce_min3A_552 = vector.multi_reduction <minsi>, %select_n3A_550, %reduce_min3A_551 [0] : vector<64x1024xi32> to vector<1024xi32>
    %add3A_553 = arith.constant 1728 : i32
    %add3A_554 = vector.broadcast %add3A_553 : i32 to vector<1024xi32>
    %add3A_555 = arith.addi %reduce_min3A_552, %add3A_554 : vector<1024xi32>
    %lt3A_556 = arith.cmpf olt, %reduce_min3A_544, %select_n3A_539 : vector<1024xf32>
    %select_n3A_557 = arith.select %lt3A_556, %add3A_555, %select_n3A_538 : vector<1024xi1>, vector<1024xi32>
    %select_n3A_558 = arith.select %lt3A_556, %reduce_min3A_544, %select_n3A_539 : vector<1024xi1>, vector<1024xf32>
    %slice3A_559 = vector.extract_strided_slice %concatenate3A_36 {offsets = [1792, 0], sizes = [64, 99], strides = [1, 1]} : vector<4096x99xbf16> to vector<64x99xbf16>
    %dot_general3A_560 = arith.constant dense<0.000000e+00> : vector<64x1024xf32>
    %dot_general3A_561 = tpu.matmul %slice3A_559, %concatenate3A_37, %dot_general3A_560 {dimension_numbers = #tpu.dot_dimension_numbers<[1], [0], [0], [1], [0, 0, 1, 1], [], []>, transpose_lhs_hint = false} : vector<64x99xbf16>, vector<99x1024xbf16>, vector<64x1024xf32> -> vector<64x1024xf32>
    %reduce_min3A_562 = arith.constant dense<0x7F800000> : vector<1024xf32>
    %reduce_min3A_563 = vector.multi_reduction <minimumf>, %dot_general3A_561, %reduce_min3A_562 [0] : vector<64x1024xf32> to vector<1024xf32>
    %broadcast_in_dim3A_564 = vector.shape_cast %reduce_min3A_563 : vector<1024xf32> to vector<1x1024xf32>
    %le3A_565 = vector.broadcast %broadcast_in_dim3A_564 : vector<1x1024xf32> to vector<64x1024xf32>
    %le3A_566 = arith.cmpf ole, %dot_general3A_561, %le3A_565 : vector<64x1024xf32>
    %jit3A_567 = arith.constant 1073741824 : i32
    %broadcast_in_dim3A_568 = vector.broadcast %jit3A_567 : i32 to vector<64x1024xi32>
    %select_n3A_569 = arith.select %le3A_566, %iota3A, %broadcast_in_dim3A_568 : vector<64x1024xi1>, vector<64x1024xi32>
    %reduce_min3A_570 = arith.constant dense<2147483647> : vector<1024xi32>
    %reduce_min3A_571 = vector.multi_reduction <minsi>, %select_n3A_569, %reduce_min3A_570 [0] : vector<64x1024xi32> to vector<1024xi32>
    %add3A_572 = arith.constant 1792 : i32
    %add3A_573 = vector.broadcast %add3A_572 : i32 to vector<1024xi32>
    %add3A_574 = arith.addi %reduce_min3A_571, %add3A_573 : vector<1024xi32>
    %lt3A_575 = arith.cmpf olt, %reduce_min3A_563, %select_n3A_558 : vector<1024xf32>
    %select_n3A_576 = arith.select %lt3A_575, %add3A_574, %select_n3A_557 : vector<1024xi1>, vector<1024xi32>
    %select_n3A_577 = arith.select %lt3A_575, %reduce_min3A_563, %select_n3A_558 : vector<1024xi1>, vector<1024xf32>
    %slice3A_578 = vector.extract_strided_slice %concatenate3A_36 {offsets = [1856, 0], sizes = [64, 99], strides = [1, 1]} : vector<4096x99xbf16> to vector<64x99xbf16>
    %dot_general3A_579 = arith.constant dense<0.000000e+00> : vector<64x1024xf32>
    %dot_general3A_580 = tpu.matmul %slice3A_578, %concatenate3A_37, %dot_general3A_579 {dimension_numbers = #tpu.dot_dimension_numbers<[1], [0], [0], [1], [0, 0, 1, 1], [], []>, transpose_lhs_hint = false} : vector<64x99xbf16>, vector<99x1024xbf16>, vector<64x1024xf32> -> vector<64x1024xf32>
    %reduce_min3A_581 = arith.constant dense<0x7F800000> : vector<1024xf32>
    %reduce_min3A_582 = vector.multi_reduction <minimumf>, %dot_general3A_580, %reduce_min3A_581 [0] : vector<64x1024xf32> to vector<1024xf32>
    %broadcast_in_dim3A_583 = vector.shape_cast %reduce_min3A_582 : vector<1024xf32> to vector<1x1024xf32>
    %le3A_584 = vector.broadcast %broadcast_in_dim3A_583 : vector<1x1024xf32> to vector<64x1024xf32>
    %le3A_585 = arith.cmpf ole, %dot_general3A_580, %le3A_584 : vector<64x1024xf32>
    %jit3A_586 = arith.constant 1073741824 : i32
    %broadcast_in_dim3A_587 = vector.broadcast %jit3A_586 : i32 to vector<64x1024xi32>
    %select_n3A_588 = arith.select %le3A_585, %iota3A, %broadcast_in_dim3A_587 : vector<64x1024xi1>, vector<64x1024xi32>
    %reduce_min3A_589 = arith.constant dense<2147483647> : vector<1024xi32>
    %reduce_min3A_590 = vector.multi_reduction <minsi>, %select_n3A_588, %reduce_min3A_589 [0] : vector<64x1024xi32> to vector<1024xi32>
    %add3A_591 = arith.constant 1856 : i32
    %add3A_592 = vector.broadcast %add3A_591 : i32 to vector<1024xi32>
    %add3A_593 = arith.addi %reduce_min3A_590, %add3A_592 : vector<1024xi32>
    %lt3A_594 = arith.cmpf olt, %reduce_min3A_582, %select_n3A_577 : vector<1024xf32>
    %select_n3A_595 = arith.select %lt3A_594, %add3A_593, %select_n3A_576 : vector<1024xi1>, vector<1024xi32>
    %select_n3A_596 = arith.select %lt3A_594, %reduce_min3A_582, %select_n3A_577 : vector<1024xi1>, vector<1024xf32>
    %slice3A_597 = vector.extract_strided_slice %concatenate3A_36 {offsets = [1920, 0], sizes = [64, 99], strides = [1, 1]} : vector<4096x99xbf16> to vector<64x99xbf16>
    %dot_general3A_598 = arith.constant dense<0.000000e+00> : vector<64x1024xf32>
    %dot_general3A_599 = tpu.matmul %slice3A_597, %concatenate3A_37, %dot_general3A_598 {dimension_numbers = #tpu.dot_dimension_numbers<[1], [0], [0], [1], [0, 0, 1, 1], [], []>, transpose_lhs_hint = false} : vector<64x99xbf16>, vector<99x1024xbf16>, vector<64x1024xf32> -> vector<64x1024xf32>
    %reduce_min3A_600 = arith.constant dense<0x7F800000> : vector<1024xf32>
    %reduce_min3A_601 = vector.multi_reduction <minimumf>, %dot_general3A_599, %reduce_min3A_600 [0] : vector<64x1024xf32> to vector<1024xf32>
    %broadcast_in_dim3A_602 = vector.shape_cast %reduce_min3A_601 : vector<1024xf32> to vector<1x1024xf32>
    %le3A_603 = vector.broadcast %broadcast_in_dim3A_602 : vector<1x1024xf32> to vector<64x1024xf32>
    %le3A_604 = arith.cmpf ole, %dot_general3A_599, %le3A_603 : vector<64x1024xf32>
    %jit3A_605 = arith.constant 1073741824 : i32
    %broadcast_in_dim3A_606 = vector.broadcast %jit3A_605 : i32 to vector<64x1024xi32>
    %select_n3A_607 = arith.select %le3A_604, %iota3A, %broadcast_in_dim3A_606 : vector<64x1024xi1>, vector<64x1024xi32>
    %reduce_min3A_608 = arith.constant dense<2147483647> : vector<1024xi32>
    %reduce_min3A_609 = vector.multi_reduction <minsi>, %select_n3A_607, %reduce_min3A_608 [0] : vector<64x1024xi32> to vector<1024xi32>
    %add3A_610 = arith.constant 1920 : i32
    %add3A_611 = vector.broadcast %add3A_610 : i32 to vector<1024xi32>
    %add3A_612 = arith.addi %reduce_min3A_609, %add3A_611 : vector<1024xi32>
    %lt3A_613 = arith.cmpf olt, %reduce_min3A_601, %select_n3A_596 : vector<1024xf32>
    %select_n3A_614 = arith.select %lt3A_613, %add3A_612, %select_n3A_595 : vector<1024xi1>, vector<1024xi32>
    %select_n3A_615 = arith.select %lt3A_613, %reduce_min3A_601, %select_n3A_596 : vector<1024xi1>, vector<1024xf32>
    %slice3A_616 = vector.extract_strided_slice %concatenate3A_36 {offsets = [1984, 0], sizes = [64, 99], strides = [1, 1]} : vector<4096x99xbf16> to vector<64x99xbf16>
    %dot_general3A_617 = arith.constant dense<0.000000e+00> : vector<64x1024xf32>
    %dot_general3A_618 = tpu.matmul %slice3A_616, %concatenate3A_37, %dot_general3A_617 {dimension_numbers = #tpu.dot_dimension_numbers<[1], [0], [0], [1], [0, 0, 1, 1], [], []>, transpose_lhs_hint = false} : vector<64x99xbf16>, vector<99x1024xbf16>, vector<64x1024xf32> -> vector<64x1024xf32>
    %reduce_min3A_619 = arith.constant dense<0x7F800000> : vector<1024xf32>
    %reduce_min3A_620 = vector.multi_reduction <minimumf>, %dot_general3A_618, %reduce_min3A_619 [0] : vector<64x1024xf32> to vector<1024xf32>
    %broadcast_in_dim3A_621 = vector.shape_cast %reduce_min3A_620 : vector<1024xf32> to vector<1x1024xf32>
    %le3A_622 = vector.broadcast %broadcast_in_dim3A_621 : vector<1x1024xf32> to vector<64x1024xf32>
    %le3A_623 = arith.cmpf ole, %dot_general3A_618, %le3A_622 : vector<64x1024xf32>
    %jit3A_624 = arith.constant 1073741824 : i32
    %broadcast_in_dim3A_625 = vector.broadcast %jit3A_624 : i32 to vector<64x1024xi32>
    %select_n3A_626 = arith.select %le3A_623, %iota3A, %broadcast_in_dim3A_625 : vector<64x1024xi1>, vector<64x1024xi32>
    %reduce_min3A_627 = arith.constant dense<2147483647> : vector<1024xi32>
    %reduce_min3A_628 = vector.multi_reduction <minsi>, %select_n3A_626, %reduce_min3A_627 [0] : vector<64x1024xi32> to vector<1024xi32>
    %add3A_629 = arith.constant 1984 : i32
    %add3A_630 = vector.broadcast %add3A_629 : i32 to vector<1024xi32>
    %add3A_631 = arith.addi %reduce_min3A_628, %add3A_630 : vector<1024xi32>
    %lt3A_632 = arith.cmpf olt, %reduce_min3A_620, %select_n3A_615 : vector<1024xf32>
    %select_n3A_633 = arith.select %lt3A_632, %add3A_631, %select_n3A_614 : vector<1024xi1>, vector<1024xi32>
    %select_n3A_634 = arith.select %lt3A_632, %reduce_min3A_620, %select_n3A_615 : vector<1024xi1>, vector<1024xf32>
    %slice3A_635 = vector.extract_strided_slice %concatenate3A_36 {offsets = [2048, 0], sizes = [64, 99], strides = [1, 1]} : vector<4096x99xbf16> to vector<64x99xbf16>
    %dot_general3A_636 = arith.constant dense<0.000000e+00> : vector<64x1024xf32>
    %dot_general3A_637 = tpu.matmul %slice3A_635, %concatenate3A_37, %dot_general3A_636 {dimension_numbers = #tpu.dot_dimension_numbers<[1], [0], [0], [1], [0, 0, 1, 1], [], []>, transpose_lhs_hint = false} : vector<64x99xbf16>, vector<99x1024xbf16>, vector<64x1024xf32> -> vector<64x1024xf32>
    %reduce_min3A_638 = arith.constant dense<0x7F800000> : vector<1024xf32>
    %reduce_min3A_639 = vector.multi_reduction <minimumf>, %dot_general3A_637, %reduce_min3A_638 [0] : vector<64x1024xf32> to vector<1024xf32>
    %broadcast_in_dim3A_640 = vector.shape_cast %reduce_min3A_639 : vector<1024xf32> to vector<1x1024xf32>
    %le3A_641 = vector.broadcast %broadcast_in_dim3A_640 : vector<1x1024xf32> to vector<64x1024xf32>
    %le3A_642 = arith.cmpf ole, %dot_general3A_637, %le3A_641 : vector<64x1024xf32>
    %jit3A_643 = arith.constant 1073741824 : i32
    %broadcast_in_dim3A_644 = vector.broadcast %jit3A_643 : i32 to vector<64x1024xi32>
    %select_n3A_645 = arith.select %le3A_642, %iota3A, %broadcast_in_dim3A_644 : vector<64x1024xi1>, vector<64x1024xi32>
    %reduce_min3A_646 = arith.constant dense<2147483647> : vector<1024xi32>
    %reduce_min3A_647 = vector.multi_reduction <minsi>, %select_n3A_645, %reduce_min3A_646 [0] : vector<64x1024xi32> to vector<1024xi32>
    %add3A_648 = arith.constant 2048 : i32
    %add3A_649 = vector.broadcast %add3A_648 : i32 to vector<1024xi32>
    %add3A_650 = arith.addi %reduce_min3A_647, %add3A_649 : vector<1024xi32>
    %lt3A_651 = arith.cmpf olt, %reduce_min3A_639, %select_n3A_634 : vector<1024xf32>
    %select_n3A_652 = arith.select %lt3A_651, %add3A_650, %select_n3A_633 : vector<1024xi1>, vector<1024xi32>
    %select_n3A_653 = arith.select %lt3A_651, %reduce_min3A_639, %select_n3A_634 : vector<1024xi1>, vector<1024xf32>
    %slice3A_654 = vector.extract_strided_slice %concatenate3A_36 {offsets = [2112, 0], sizes = [64, 99], strides = [1, 1]} : vector<4096x99xbf16> to vector<64x99xbf16>
    %dot_general3A_655 = arith.constant dense<0.000000e+00> : vector<64x1024xf32>
    %dot_general3A_656 = tpu.matmul %slice3A_654, %concatenate3A_37, %dot_general3A_655 {dimension_numbers = #tpu.dot_dimension_numbers<[1], [0], [0], [1], [0, 0, 1, 1], [], []>, transpose_lhs_hint = false} : vector<64x99xbf16>, vector<99x1024xbf16>, vector<64x1024xf32> -> vector<64x1024xf32>
    %reduce_min3A_657 = arith.constant dense<0x7F800000> : vector<1024xf32>
    %reduce_min3A_658 = vector.multi_reduction <minimumf>, %dot_general3A_656, %reduce_min3A_657 [0] : vector<64x1024xf32> to vector<1024xf32>
    %broadcast_in_dim3A_659 = vector.shape_cast %reduce_min3A_658 : vector<1024xf32> to vector<1x1024xf32>
    %le3A_660 = vector.broadcast %broadcast_in_dim3A_659 : vector<1x1024xf32> to vector<64x1024xf32>
    %le3A_661 = arith.cmpf ole, %dot_general3A_656, %le3A_660 : vector<64x1024xf32>
    %jit3A_662 = arith.constant 1073741824 : i32
    %broadcast_in_dim3A_663 = vector.broadcast %jit3A_662 : i32 to vector<64x1024xi32>
    %select_n3A_664 = arith.select %le3A_661, %iota3A, %broadcast_in_dim3A_663 : vector<64x1024xi1>, vector<64x1024xi32>
    %reduce_min3A_665 = arith.constant dense<2147483647> : vector<1024xi32>
    %reduce_min3A_666 = vector.multi_reduction <minsi>, %select_n3A_664, %reduce_min3A_665 [0] : vector<64x1024xi32> to vector<1024xi32>
    %add3A_667 = arith.constant 2112 : i32
    %add3A_668 = vector.broadcast %add3A_667 : i32 to vector<1024xi32>
    %add3A_669 = arith.addi %reduce_min3A_666, %add3A_668 : vector<1024xi32>
    %lt3A_670 = arith.cmpf olt, %reduce_min3A_658, %select_n3A_653 : vector<1024xf32>
    %select_n3A_671 = arith.select %lt3A_670, %add3A_669, %select_n3A_652 : vector<1024xi1>, vector<1024xi32>
    %select_n3A_672 = arith.select %lt3A_670, %reduce_min3A_658, %select_n3A_653 : vector<1024xi1>, vector<1024xf32>
    %slice3A_673 = vector.extract_strided_slice %concatenate3A_36 {offsets = [2176, 0], sizes = [64, 99], strides = [1, 1]} : vector<4096x99xbf16> to vector<64x99xbf16>
    %dot_general3A_674 = arith.constant dense<0.000000e+00> : vector<64x1024xf32>
    %dot_general3A_675 = tpu.matmul %slice3A_673, %concatenate3A_37, %dot_general3A_674 {dimension_numbers = #tpu.dot_dimension_numbers<[1], [0], [0], [1], [0, 0, 1, 1], [], []>, transpose_lhs_hint = false} : vector<64x99xbf16>, vector<99x1024xbf16>, vector<64x1024xf32> -> vector<64x1024xf32>
    %reduce_min3A_676 = arith.constant dense<0x7F800000> : vector<1024xf32>
    %reduce_min3A_677 = vector.multi_reduction <minimumf>, %dot_general3A_675, %reduce_min3A_676 [0] : vector<64x1024xf32> to vector<1024xf32>
    %broadcast_in_dim3A_678 = vector.shape_cast %reduce_min3A_677 : vector<1024xf32> to vector<1x1024xf32>
    %le3A_679 = vector.broadcast %broadcast_in_dim3A_678 : vector<1x1024xf32> to vector<64x1024xf32>
    %le3A_680 = arith.cmpf ole, %dot_general3A_675, %le3A_679 : vector<64x1024xf32>
    %jit3A_681 = arith.constant 1073741824 : i32
    %broadcast_in_dim3A_682 = vector.broadcast %jit3A_681 : i32 to vector<64x1024xi32>
    %select_n3A_683 = arith.select %le3A_680, %iota3A, %broadcast_in_dim3A_682 : vector<64x1024xi1>, vector<64x1024xi32>
    %reduce_min3A_684 = arith.constant dense<2147483647> : vector<1024xi32>
    %reduce_min3A_685 = vector.multi_reduction <minsi>, %select_n3A_683, %reduce_min3A_684 [0] : vector<64x1024xi32> to vector<1024xi32>
    %add3A_686 = arith.constant 2176 : i32
    %add3A_687 = vector.broadcast %add3A_686 : i32 to vector<1024xi32>
    %add3A_688 = arith.addi %reduce_min3A_685, %add3A_687 : vector<1024xi32>
    %lt3A_689 = arith.cmpf olt, %reduce_min3A_677, %select_n3A_672 : vector<1024xf32>
    %select_n3A_690 = arith.select %lt3A_689, %add3A_688, %select_n3A_671 : vector<1024xi1>, vector<1024xi32>
    %select_n3A_691 = arith.select %lt3A_689, %reduce_min3A_677, %select_n3A_672 : vector<1024xi1>, vector<1024xf32>
    %slice3A_692 = vector.extract_strided_slice %concatenate3A_36 {offsets = [2240, 0], sizes = [64, 99], strides = [1, 1]} : vector<4096x99xbf16> to vector<64x99xbf16>
    %dot_general3A_693 = arith.constant dense<0.000000e+00> : vector<64x1024xf32>
    %dot_general3A_694 = tpu.matmul %slice3A_692, %concatenate3A_37, %dot_general3A_693 {dimension_numbers = #tpu.dot_dimension_numbers<[1], [0], [0], [1], [0, 0, 1, 1], [], []>, transpose_lhs_hint = false} : vector<64x99xbf16>, vector<99x1024xbf16>, vector<64x1024xf32> -> vector<64x1024xf32>
    %reduce_min3A_695 = arith.constant dense<0x7F800000> : vector<1024xf32>
    %reduce_min3A_696 = vector.multi_reduction <minimumf>, %dot_general3A_694, %reduce_min3A_695 [0] : vector<64x1024xf32> to vector<1024xf32>
    %broadcast_in_dim3A_697 = vector.shape_cast %reduce_min3A_696 : vector<1024xf32> to vector<1x1024xf32>
    %le3A_698 = vector.broadcast %broadcast_in_dim3A_697 : vector<1x1024xf32> to vector<64x1024xf32>
    %le3A_699 = arith.cmpf ole, %dot_general3A_694, %le3A_698 : vector<64x1024xf32>
    %jit3A_700 = arith.constant 1073741824 : i32
    %broadcast_in_dim3A_701 = vector.broadcast %jit3A_700 : i32 to vector<64x1024xi32>
    %select_n3A_702 = arith.select %le3A_699, %iota3A, %broadcast_in_dim3A_701 : vector<64x1024xi1>, vector<64x1024xi32>
    %reduce_min3A_703 = arith.constant dense<2147483647> : vector<1024xi32>
    %reduce_min3A_704 = vector.multi_reduction <minsi>, %select_n3A_702, %reduce_min3A_703 [0] : vector<64x1024xi32> to vector<1024xi32>
    %add3A_705 = arith.constant 2240 : i32
    %add3A_706 = vector.broadcast %add3A_705 : i32 to vector<1024xi32>
    %add3A_707 = arith.addi %reduce_min3A_704, %add3A_706 : vector<1024xi32>
    %lt3A_708 = arith.cmpf olt, %reduce_min3A_696, %select_n3A_691 : vector<1024xf32>
    %select_n3A_709 = arith.select %lt3A_708, %add3A_707, %select_n3A_690 : vector<1024xi1>, vector<1024xi32>
    %select_n3A_710 = arith.select %lt3A_708, %reduce_min3A_696, %select_n3A_691 : vector<1024xi1>, vector<1024xf32>
    %slice3A_711 = vector.extract_strided_slice %concatenate3A_36 {offsets = [2304, 0], sizes = [64, 99], strides = [1, 1]} : vector<4096x99xbf16> to vector<64x99xbf16>
    %dot_general3A_712 = arith.constant dense<0.000000e+00> : vector<64x1024xf32>
    %dot_general3A_713 = tpu.matmul %slice3A_711, %concatenate3A_37, %dot_general3A_712 {dimension_numbers = #tpu.dot_dimension_numbers<[1], [0], [0], [1], [0, 0, 1, 1], [], []>, transpose_lhs_hint = false} : vector<64x99xbf16>, vector<99x1024xbf16>, vector<64x1024xf32> -> vector<64x1024xf32>
    %reduce_min3A_714 = arith.constant dense<0x7F800000> : vector<1024xf32>
    %reduce_min3A_715 = vector.multi_reduction <minimumf>, %dot_general3A_713, %reduce_min3A_714 [0] : vector<64x1024xf32> to vector<1024xf32>
    %broadcast_in_dim3A_716 = vector.shape_cast %reduce_min3A_715 : vector<1024xf32> to vector<1x1024xf32>
    %le3A_717 = vector.broadcast %broadcast_in_dim3A_716 : vector<1x1024xf32> to vector<64x1024xf32>
    %le3A_718 = arith.cmpf ole, %dot_general3A_713, %le3A_717 : vector<64x1024xf32>
    %jit3A_719 = arith.constant 1073741824 : i32
    %broadcast_in_dim3A_720 = vector.broadcast %jit3A_719 : i32 to vector<64x1024xi32>
    %select_n3A_721 = arith.select %le3A_718, %iota3A, %broadcast_in_dim3A_720 : vector<64x1024xi1>, vector<64x1024xi32>
    %reduce_min3A_722 = arith.constant dense<2147483647> : vector<1024xi32>
    %reduce_min3A_723 = vector.multi_reduction <minsi>, %select_n3A_721, %reduce_min3A_722 [0] : vector<64x1024xi32> to vector<1024xi32>
    %add3A_724 = arith.constant 2304 : i32
    %add3A_725 = vector.broadcast %add3A_724 : i32 to vector<1024xi32>
    %add3A_726 = arith.addi %reduce_min3A_723, %add3A_725 : vector<1024xi32>
    %lt3A_727 = arith.cmpf olt, %reduce_min3A_715, %select_n3A_710 : vector<1024xf32>
    %select_n3A_728 = arith.select %lt3A_727, %add3A_726, %select_n3A_709 : vector<1024xi1>, vector<1024xi32>
    %select_n3A_729 = arith.select %lt3A_727, %reduce_min3A_715, %select_n3A_710 : vector<1024xi1>, vector<1024xf32>
    %slice3A_730 = vector.extract_strided_slice %concatenate3A_36 {offsets = [2368, 0], sizes = [64, 99], strides = [1, 1]} : vector<4096x99xbf16> to vector<64x99xbf16>
    %dot_general3A_731 = arith.constant dense<0.000000e+00> : vector<64x1024xf32>
    %dot_general3A_732 = tpu.matmul %slice3A_730, %concatenate3A_37, %dot_general3A_731 {dimension_numbers = #tpu.dot_dimension_numbers<[1], [0], [0], [1], [0, 0, 1, 1], [], []>, transpose_lhs_hint = false} : vector<64x99xbf16>, vector<99x1024xbf16>, vector<64x1024xf32> -> vector<64x1024xf32>
    %reduce_min3A_733 = arith.constant dense<0x7F800000> : vector<1024xf32>
    %reduce_min3A_734 = vector.multi_reduction <minimumf>, %dot_general3A_732, %reduce_min3A_733 [0] : vector<64x1024xf32> to vector<1024xf32>
    %broadcast_in_dim3A_735 = vector.shape_cast %reduce_min3A_734 : vector<1024xf32> to vector<1x1024xf32>
    %le3A_736 = vector.broadcast %broadcast_in_dim3A_735 : vector<1x1024xf32> to vector<64x1024xf32>
    %le3A_737 = arith.cmpf ole, %dot_general3A_732, %le3A_736 : vector<64x1024xf32>
    %jit3A_738 = arith.constant 1073741824 : i32
    %broadcast_in_dim3A_739 = vector.broadcast %jit3A_738 : i32 to vector<64x1024xi32>
    %select_n3A_740 = arith.select %le3A_737, %iota3A, %broadcast_in_dim3A_739 : vector<64x1024xi1>, vector<64x1024xi32>
    %reduce_min3A_741 = arith.constant dense<2147483647> : vector<1024xi32>
    %reduce_min3A_742 = vector.multi_reduction <minsi>, %select_n3A_740, %reduce_min3A_741 [0] : vector<64x1024xi32> to vector<1024xi32>
    %add3A_743 = arith.constant 2368 : i32
    %add3A_744 = vector.broadcast %add3A_743 : i32 to vector<1024xi32>
    %add3A_745 = arith.addi %reduce_min3A_742, %add3A_744 : vector<1024xi32>
    %lt3A_746 = arith.cmpf olt, %reduce_min3A_734, %select_n3A_729 : vector<1024xf32>
    %select_n3A_747 = arith.select %lt3A_746, %add3A_745, %select_n3A_728 : vector<1024xi1>, vector<1024xi32>
    %select_n3A_748 = arith.select %lt3A_746, %reduce_min3A_734, %select_n3A_729 : vector<1024xi1>, vector<1024xf32>
    %slice3A_749 = vector.extract_strided_slice %concatenate3A_36 {offsets = [2432, 0], sizes = [64, 99], strides = [1, 1]} : vector<4096x99xbf16> to vector<64x99xbf16>
    %dot_general3A_750 = arith.constant dense<0.000000e+00> : vector<64x1024xf32>
    %dot_general3A_751 = tpu.matmul %slice3A_749, %concatenate3A_37, %dot_general3A_750 {dimension_numbers = #tpu.dot_dimension_numbers<[1], [0], [0], [1], [0, 0, 1, 1], [], []>, transpose_lhs_hint = false} : vector<64x99xbf16>, vector<99x1024xbf16>, vector<64x1024xf32> -> vector<64x1024xf32>
    %reduce_min3A_752 = arith.constant dense<0x7F800000> : vector<1024xf32>
    %reduce_min3A_753 = vector.multi_reduction <minimumf>, %dot_general3A_751, %reduce_min3A_752 [0] : vector<64x1024xf32> to vector<1024xf32>
    %broadcast_in_dim3A_754 = vector.shape_cast %reduce_min3A_753 : vector<1024xf32> to vector<1x1024xf32>
    %le3A_755 = vector.broadcast %broadcast_in_dim3A_754 : vector<1x1024xf32> to vector<64x1024xf32>
    %le3A_756 = arith.cmpf ole, %dot_general3A_751, %le3A_755 : vector<64x1024xf32>
    %jit3A_757 = arith.constant 1073741824 : i32
    %broadcast_in_dim3A_758 = vector.broadcast %jit3A_757 : i32 to vector<64x1024xi32>
    %select_n3A_759 = arith.select %le3A_756, %iota3A, %broadcast_in_dim3A_758 : vector<64x1024xi1>, vector<64x1024xi32>
    %reduce_min3A_760 = arith.constant dense<2147483647> : vector<1024xi32>
    %reduce_min3A_761 = vector.multi_reduction <minsi>, %select_n3A_759, %reduce_min3A_760 [0] : vector<64x1024xi32> to vector<1024xi32>
    %add3A_762 = arith.constant 2432 : i32
    %add3A_763 = vector.broadcast %add3A_762 : i32 to vector<1024xi32>
    %add3A_764 = arith.addi %reduce_min3A_761, %add3A_763 : vector<1024xi32>
    %lt3A_765 = arith.cmpf olt, %reduce_min3A_753, %select_n3A_748 : vector<1024xf32>
    %select_n3A_766 = arith.select %lt3A_765, %add3A_764, %select_n3A_747 : vector<1024xi1>, vector<1024xi32>
    %select_n3A_767 = arith.select %lt3A_765, %reduce_min3A_753, %select_n3A_748 : vector<1024xi1>, vector<1024xf32>
    %slice3A_768 = vector.extract_strided_slice %concatenate3A_36 {offsets = [2496, 0], sizes = [64, 99], strides = [1, 1]} : vector<4096x99xbf16> to vector<64x99xbf16>
    %dot_general3A_769 = arith.constant dense<0.000000e+00> : vector<64x1024xf32>
    %dot_general3A_770 = tpu.matmul %slice3A_768, %concatenate3A_37, %dot_general3A_769 {dimension_numbers = #tpu.dot_dimension_numbers<[1], [0], [0], [1], [0, 0, 1, 1], [], []>, transpose_lhs_hint = false} : vector<64x99xbf16>, vector<99x1024xbf16>, vector<64x1024xf32> -> vector<64x1024xf32>
    %reduce_min3A_771 = arith.constant dense<0x7F800000> : vector<1024xf32>
    %reduce_min3A_772 = vector.multi_reduction <minimumf>, %dot_general3A_770, %reduce_min3A_771 [0] : vector<64x1024xf32> to vector<1024xf32>
    %broadcast_in_dim3A_773 = vector.shape_cast %reduce_min3A_772 : vector<1024xf32> to vector<1x1024xf32>
    %le3A_774 = vector.broadcast %broadcast_in_dim3A_773 : vector<1x1024xf32> to vector<64x1024xf32>
    %le3A_775 = arith.cmpf ole, %dot_general3A_770, %le3A_774 : vector<64x1024xf32>
    %jit3A_776 = arith.constant 1073741824 : i32
    %broadcast_in_dim3A_777 = vector.broadcast %jit3A_776 : i32 to vector<64x1024xi32>
    %select_n3A_778 = arith.select %le3A_775, %iota3A, %broadcast_in_dim3A_777 : vector<64x1024xi1>, vector<64x1024xi32>
    %reduce_min3A_779 = arith.constant dense<2147483647> : vector<1024xi32>
    %reduce_min3A_780 = vector.multi_reduction <minsi>, %select_n3A_778, %reduce_min3A_779 [0] : vector<64x1024xi32> to vector<1024xi32>
    %add3A_781 = arith.constant 2496 : i32
    %add3A_782 = vector.broadcast %add3A_781 : i32 to vector<1024xi32>
    %add3A_783 = arith.addi %reduce_min3A_780, %add3A_782 : vector<1024xi32>
    %lt3A_784 = arith.cmpf olt, %reduce_min3A_772, %select_n3A_767 : vector<1024xf32>
    %select_n3A_785 = arith.select %lt3A_784, %add3A_783, %select_n3A_766 : vector<1024xi1>, vector<1024xi32>
    %select_n3A_786 = arith.select %lt3A_784, %reduce_min3A_772, %select_n3A_767 : vector<1024xi1>, vector<1024xf32>
    %slice3A_787 = vector.extract_strided_slice %concatenate3A_36 {offsets = [2560, 0], sizes = [64, 99], strides = [1, 1]} : vector<4096x99xbf16> to vector<64x99xbf16>
    %dot_general3A_788 = arith.constant dense<0.000000e+00> : vector<64x1024xf32>
    %dot_general3A_789 = tpu.matmul %slice3A_787, %concatenate3A_37, %dot_general3A_788 {dimension_numbers = #tpu.dot_dimension_numbers<[1], [0], [0], [1], [0, 0, 1, 1], [], []>, transpose_lhs_hint = false} : vector<64x99xbf16>, vector<99x1024xbf16>, vector<64x1024xf32> -> vector<64x1024xf32>
    %reduce_min3A_790 = arith.constant dense<0x7F800000> : vector<1024xf32>
    %reduce_min3A_791 = vector.multi_reduction <minimumf>, %dot_general3A_789, %reduce_min3A_790 [0] : vector<64x1024xf32> to vector<1024xf32>
    %broadcast_in_dim3A_792 = vector.shape_cast %reduce_min3A_791 : vector<1024xf32> to vector<1x1024xf32>
    %le3A_793 = vector.broadcast %broadcast_in_dim3A_792 : vector<1x1024xf32> to vector<64x1024xf32>
    %le3A_794 = arith.cmpf ole, %dot_general3A_789, %le3A_793 : vector<64x1024xf32>
    %jit3A_795 = arith.constant 1073741824 : i32
    %broadcast_in_dim3A_796 = vector.broadcast %jit3A_795 : i32 to vector<64x1024xi32>
    %select_n3A_797 = arith.select %le3A_794, %iota3A, %broadcast_in_dim3A_796 : vector<64x1024xi1>, vector<64x1024xi32>
    %reduce_min3A_798 = arith.constant dense<2147483647> : vector<1024xi32>
    %reduce_min3A_799 = vector.multi_reduction <minsi>, %select_n3A_797, %reduce_min3A_798 [0] : vector<64x1024xi32> to vector<1024xi32>
    %add3A_800 = arith.constant 2560 : i32
    %add3A_801 = vector.broadcast %add3A_800 : i32 to vector<1024xi32>
    %add3A_802 = arith.addi %reduce_min3A_799, %add3A_801 : vector<1024xi32>
    %lt3A_803 = arith.cmpf olt, %reduce_min3A_791, %select_n3A_786 : vector<1024xf32>
    %select_n3A_804 = arith.select %lt3A_803, %add3A_802, %select_n3A_785 : vector<1024xi1>, vector<1024xi32>
    %select_n3A_805 = arith.select %lt3A_803, %reduce_min3A_791, %select_n3A_786 : vector<1024xi1>, vector<1024xf32>
    %slice3A_806 = vector.extract_strided_slice %concatenate3A_36 {offsets = [2624, 0], sizes = [64, 99], strides = [1, 1]} : vector<4096x99xbf16> to vector<64x99xbf16>
    %dot_general3A_807 = arith.constant dense<0.000000e+00> : vector<64x1024xf32>
    %dot_general3A_808 = tpu.matmul %slice3A_806, %concatenate3A_37, %dot_general3A_807 {dimension_numbers = #tpu.dot_dimension_numbers<[1], [0], [0], [1], [0, 0, 1, 1], [], []>, transpose_lhs_hint = false} : vector<64x99xbf16>, vector<99x1024xbf16>, vector<64x1024xf32> -> vector<64x1024xf32>
    %reduce_min3A_809 = arith.constant dense<0x7F800000> : vector<1024xf32>
    %reduce_min3A_810 = vector.multi_reduction <minimumf>, %dot_general3A_808, %reduce_min3A_809 [0] : vector<64x1024xf32> to vector<1024xf32>
    %broadcast_in_dim3A_811 = vector.shape_cast %reduce_min3A_810 : vector<1024xf32> to vector<1x1024xf32>
    %le3A_812 = vector.broadcast %broadcast_in_dim3A_811 : vector<1x1024xf32> to vector<64x1024xf32>
    %le3A_813 = arith.cmpf ole, %dot_general3A_808, %le3A_812 : vector<64x1024xf32>
    %jit3A_814 = arith.constant 1073741824 : i32
    %broadcast_in_dim3A_815 = vector.broadcast %jit3A_814 : i32 to vector<64x1024xi32>
    %select_n3A_816 = arith.select %le3A_813, %iota3A, %broadcast_in_dim3A_815 : vector<64x1024xi1>, vector<64x1024xi32>
    %reduce_min3A_817 = arith.constant dense<2147483647> : vector<1024xi32>
    %reduce_min3A_818 = vector.multi_reduction <minsi>, %select_n3A_816, %reduce_min3A_817 [0] : vector<64x1024xi32> to vector<1024xi32>
    %add3A_819 = arith.constant 2624 : i32
    %add3A_820 = vector.broadcast %add3A_819 : i32 to vector<1024xi32>
    %add3A_821 = arith.addi %reduce_min3A_818, %add3A_820 : vector<1024xi32>
    %lt3A_822 = arith.cmpf olt, %reduce_min3A_810, %select_n3A_805 : vector<1024xf32>
    %select_n3A_823 = arith.select %lt3A_822, %add3A_821, %select_n3A_804 : vector<1024xi1>, vector<1024xi32>
    %select_n3A_824 = arith.select %lt3A_822, %reduce_min3A_810, %select_n3A_805 : vector<1024xi1>, vector<1024xf32>
    %slice3A_825 = vector.extract_strided_slice %concatenate3A_36 {offsets = [2688, 0], sizes = [64, 99], strides = [1, 1]} : vector<4096x99xbf16> to vector<64x99xbf16>
    %dot_general3A_826 = arith.constant dense<0.000000e+00> : vector<64x1024xf32>
    %dot_general3A_827 = tpu.matmul %slice3A_825, %concatenate3A_37, %dot_general3A_826 {dimension_numbers = #tpu.dot_dimension_numbers<[1], [0], [0], [1], [0, 0, 1, 1], [], []>, transpose_lhs_hint = false} : vector<64x99xbf16>, vector<99x1024xbf16>, vector<64x1024xf32> -> vector<64x1024xf32>
    %reduce_min3A_828 = arith.constant dense<0x7F800000> : vector<1024xf32>
    %reduce_min3A_829 = vector.multi_reduction <minimumf>, %dot_general3A_827, %reduce_min3A_828 [0] : vector<64x1024xf32> to vector<1024xf32>
    %broadcast_in_dim3A_830 = vector.shape_cast %reduce_min3A_829 : vector<1024xf32> to vector<1x1024xf32>
    %le3A_831 = vector.broadcast %broadcast_in_dim3A_830 : vector<1x1024xf32> to vector<64x1024xf32>
    %le3A_832 = arith.cmpf ole, %dot_general3A_827, %le3A_831 : vector<64x1024xf32>
    %jit3A_833 = arith.constant 1073741824 : i32
    %broadcast_in_dim3A_834 = vector.broadcast %jit3A_833 : i32 to vector<64x1024xi32>
    %select_n3A_835 = arith.select %le3A_832, %iota3A, %broadcast_in_dim3A_834 : vector<64x1024xi1>, vector<64x1024xi32>
    %reduce_min3A_836 = arith.constant dense<2147483647> : vector<1024xi32>
    %reduce_min3A_837 = vector.multi_reduction <minsi>, %select_n3A_835, %reduce_min3A_836 [0] : vector<64x1024xi32> to vector<1024xi32>
    %add3A_838 = arith.constant 2688 : i32
    %add3A_839 = vector.broadcast %add3A_838 : i32 to vector<1024xi32>
    %add3A_840 = arith.addi %reduce_min3A_837, %add3A_839 : vector<1024xi32>
    %lt3A_841 = arith.cmpf olt, %reduce_min3A_829, %select_n3A_824 : vector<1024xf32>
    %select_n3A_842 = arith.select %lt3A_841, %add3A_840, %select_n3A_823 : vector<1024xi1>, vector<1024xi32>
    %select_n3A_843 = arith.select %lt3A_841, %reduce_min3A_829, %select_n3A_824 : vector<1024xi1>, vector<1024xf32>
    %slice3A_844 = vector.extract_strided_slice %concatenate3A_36 {offsets = [2752, 0], sizes = [64, 99], strides = [1, 1]} : vector<4096x99xbf16> to vector<64x99xbf16>
    %dot_general3A_845 = arith.constant dense<0.000000e+00> : vector<64x1024xf32>
    %dot_general3A_846 = tpu.matmul %slice3A_844, %concatenate3A_37, %dot_general3A_845 {dimension_numbers = #tpu.dot_dimension_numbers<[1], [0], [0], [1], [0, 0, 1, 1], [], []>, transpose_lhs_hint = false} : vector<64x99xbf16>, vector<99x1024xbf16>, vector<64x1024xf32> -> vector<64x1024xf32>
    %reduce_min3A_847 = arith.constant dense<0x7F800000> : vector<1024xf32>
    %reduce_min3A_848 = vector.multi_reduction <minimumf>, %dot_general3A_846, %reduce_min3A_847 [0] : vector<64x1024xf32> to vector<1024xf32>
    %broadcast_in_dim3A_849 = vector.shape_cast %reduce_min3A_848 : vector<1024xf32> to vector<1x1024xf32>
    %le3A_850 = vector.broadcast %broadcast_in_dim3A_849 : vector<1x1024xf32> to vector<64x1024xf32>
    %le3A_851 = arith.cmpf ole, %dot_general3A_846, %le3A_850 : vector<64x1024xf32>
    %jit3A_852 = arith.constant 1073741824 : i32
    %broadcast_in_dim3A_853 = vector.broadcast %jit3A_852 : i32 to vector<64x1024xi32>
    %select_n3A_854 = arith.select %le3A_851, %iota3A, %broadcast_in_dim3A_853 : vector<64x1024xi1>, vector<64x1024xi32>
    %reduce_min3A_855 = arith.constant dense<2147483647> : vector<1024xi32>
    %reduce_min3A_856 = vector.multi_reduction <minsi>, %select_n3A_854, %reduce_min3A_855 [0] : vector<64x1024xi32> to vector<1024xi32>
    %add3A_857 = arith.constant 2752 : i32
    %add3A_858 = vector.broadcast %add3A_857 : i32 to vector<1024xi32>
    %add3A_859 = arith.addi %reduce_min3A_856, %add3A_858 : vector<1024xi32>
    %lt3A_860 = arith.cmpf olt, %reduce_min3A_848, %select_n3A_843 : vector<1024xf32>
    %select_n3A_861 = arith.select %lt3A_860, %add3A_859, %select_n3A_842 : vector<1024xi1>, vector<1024xi32>
    %select_n3A_862 = arith.select %lt3A_860, %reduce_min3A_848, %select_n3A_843 : vector<1024xi1>, vector<1024xf32>
    %slice3A_863 = vector.extract_strided_slice %concatenate3A_36 {offsets = [2816, 0], sizes = [64, 99], strides = [1, 1]} : vector<4096x99xbf16> to vector<64x99xbf16>
    %dot_general3A_864 = arith.constant dense<0.000000e+00> : vector<64x1024xf32>
    %dot_general3A_865 = tpu.matmul %slice3A_863, %concatenate3A_37, %dot_general3A_864 {dimension_numbers = #tpu.dot_dimension_numbers<[1], [0], [0], [1], [0, 0, 1, 1], [], []>, transpose_lhs_hint = false} : vector<64x99xbf16>, vector<99x1024xbf16>, vector<64x1024xf32> -> vector<64x1024xf32>
    %reduce_min3A_866 = arith.constant dense<0x7F800000> : vector<1024xf32>
    %reduce_min3A_867 = vector.multi_reduction <minimumf>, %dot_general3A_865, %reduce_min3A_866 [0] : vector<64x1024xf32> to vector<1024xf32>
    %broadcast_in_dim3A_868 = vector.shape_cast %reduce_min3A_867 : vector<1024xf32> to vector<1x1024xf32>
    %le3A_869 = vector.broadcast %broadcast_in_dim3A_868 : vector<1x1024xf32> to vector<64x1024xf32>
    %le3A_870 = arith.cmpf ole, %dot_general3A_865, %le3A_869 : vector<64x1024xf32>
    %jit3A_871 = arith.constant 1073741824 : i32
    %broadcast_in_dim3A_872 = vector.broadcast %jit3A_871 : i32 to vector<64x1024xi32>
    %select_n3A_873 = arith.select %le3A_870, %iota3A, %broadcast_in_dim3A_872 : vector<64x1024xi1>, vector<64x1024xi32>
    %reduce_min3A_874 = arith.constant dense<2147483647> : vector<1024xi32>
    %reduce_min3A_875 = vector.multi_reduction <minsi>, %select_n3A_873, %reduce_min3A_874 [0] : vector<64x1024xi32> to vector<1024xi32>
    %add3A_876 = arith.constant 2816 : i32
    %add3A_877 = vector.broadcast %add3A_876 : i32 to vector<1024xi32>
    %add3A_878 = arith.addi %reduce_min3A_875, %add3A_877 : vector<1024xi32>
    %lt3A_879 = arith.cmpf olt, %reduce_min3A_867, %select_n3A_862 : vector<1024xf32>
    %select_n3A_880 = arith.select %lt3A_879, %add3A_878, %select_n3A_861 : vector<1024xi1>, vector<1024xi32>
    %select_n3A_881 = arith.select %lt3A_879, %reduce_min3A_867, %select_n3A_862 : vector<1024xi1>, vector<1024xf32>
    %slice3A_882 = vector.extract_strided_slice %concatenate3A_36 {offsets = [2880, 0], sizes = [64, 99], strides = [1, 1]} : vector<4096x99xbf16> to vector<64x99xbf16>
    %dot_general3A_883 = arith.constant dense<0.000000e+00> : vector<64x1024xf32>
    %dot_general3A_884 = tpu.matmul %slice3A_882, %concatenate3A_37, %dot_general3A_883 {dimension_numbers = #tpu.dot_dimension_numbers<[1], [0], [0], [1], [0, 0, 1, 1], [], []>, transpose_lhs_hint = false} : vector<64x99xbf16>, vector<99x1024xbf16>, vector<64x1024xf32> -> vector<64x1024xf32>
    %reduce_min3A_885 = arith.constant dense<0x7F800000> : vector<1024xf32>
    %reduce_min3A_886 = vector.multi_reduction <minimumf>, %dot_general3A_884, %reduce_min3A_885 [0] : vector<64x1024xf32> to vector<1024xf32>
    %broadcast_in_dim3A_887 = vector.shape_cast %reduce_min3A_886 : vector<1024xf32> to vector<1x1024xf32>
    %le3A_888 = vector.broadcast %broadcast_in_dim3A_887 : vector<1x1024xf32> to vector<64x1024xf32>
    %le3A_889 = arith.cmpf ole, %dot_general3A_884, %le3A_888 : vector<64x1024xf32>
    %jit3A_890 = arith.constant 1073741824 : i32
    %broadcast_in_dim3A_891 = vector.broadcast %jit3A_890 : i32 to vector<64x1024xi32>
    %select_n3A_892 = arith.select %le3A_889, %iota3A, %broadcast_in_dim3A_891 : vector<64x1024xi1>, vector<64x1024xi32>
    %reduce_min3A_893 = arith.constant dense<2147483647> : vector<1024xi32>
    %reduce_min3A_894 = vector.multi_reduction <minsi>, %select_n3A_892, %reduce_min3A_893 [0] : vector<64x1024xi32> to vector<1024xi32>
    %add3A_895 = arith.constant 2880 : i32
    %add3A_896 = vector.broadcast %add3A_895 : i32 to vector<1024xi32>
    %add3A_897 = arith.addi %reduce_min3A_894, %add3A_896 : vector<1024xi32>
    %lt3A_898 = arith.cmpf olt, %reduce_min3A_886, %select_n3A_881 : vector<1024xf32>
    %select_n3A_899 = arith.select %lt3A_898, %add3A_897, %select_n3A_880 : vector<1024xi1>, vector<1024xi32>
    %select_n3A_900 = arith.select %lt3A_898, %reduce_min3A_886, %select_n3A_881 : vector<1024xi1>, vector<1024xf32>
    %slice3A_901 = vector.extract_strided_slice %concatenate3A_36 {offsets = [2944, 0], sizes = [64, 99], strides = [1, 1]} : vector<4096x99xbf16> to vector<64x99xbf16>
    %dot_general3A_902 = arith.constant dense<0.000000e+00> : vector<64x1024xf32>
    %dot_general3A_903 = tpu.matmul %slice3A_901, %concatenate3A_37, %dot_general3A_902 {dimension_numbers = #tpu.dot_dimension_numbers<[1], [0], [0], [1], [0, 0, 1, 1], [], []>, transpose_lhs_hint = false} : vector<64x99xbf16>, vector<99x1024xbf16>, vector<64x1024xf32> -> vector<64x1024xf32>
    %reduce_min3A_904 = arith.constant dense<0x7F800000> : vector<1024xf32>
    %reduce_min3A_905 = vector.multi_reduction <minimumf>, %dot_general3A_903, %reduce_min3A_904 [0] : vector<64x1024xf32> to vector<1024xf32>
    %broadcast_in_dim3A_906 = vector.shape_cast %reduce_min3A_905 : vector<1024xf32> to vector<1x1024xf32>
    %le3A_907 = vector.broadcast %broadcast_in_dim3A_906 : vector<1x1024xf32> to vector<64x1024xf32>
    %le3A_908 = arith.cmpf ole, %dot_general3A_903, %le3A_907 : vector<64x1024xf32>
    %jit3A_909 = arith.constant 1073741824 : i32
    %broadcast_in_dim3A_910 = vector.broadcast %jit3A_909 : i32 to vector<64x1024xi32>
    %select_n3A_911 = arith.select %le3A_908, %iota3A, %broadcast_in_dim3A_910 : vector<64x1024xi1>, vector<64x1024xi32>
    %reduce_min3A_912 = arith.constant dense<2147483647> : vector<1024xi32>
    %reduce_min3A_913 = vector.multi_reduction <minsi>, %select_n3A_911, %reduce_min3A_912 [0] : vector<64x1024xi32> to vector<1024xi32>
    %add3A_914 = arith.constant 2944 : i32
    %add3A_915 = vector.broadcast %add3A_914 : i32 to vector<1024xi32>
    %add3A_916 = arith.addi %reduce_min3A_913, %add3A_915 : vector<1024xi32>
    %lt3A_917 = arith.cmpf olt, %reduce_min3A_905, %select_n3A_900 : vector<1024xf32>
    %select_n3A_918 = arith.select %lt3A_917, %add3A_916, %select_n3A_899 : vector<1024xi1>, vector<1024xi32>
    %select_n3A_919 = arith.select %lt3A_917, %reduce_min3A_905, %select_n3A_900 : vector<1024xi1>, vector<1024xf32>
    %slice3A_920 = vector.extract_strided_slice %concatenate3A_36 {offsets = [3008, 0], sizes = [64, 99], strides = [1, 1]} : vector<4096x99xbf16> to vector<64x99xbf16>
    %dot_general3A_921 = arith.constant dense<0.000000e+00> : vector<64x1024xf32>
    %dot_general3A_922 = tpu.matmul %slice3A_920, %concatenate3A_37, %dot_general3A_921 {dimension_numbers = #tpu.dot_dimension_numbers<[1], [0], [0], [1], [0, 0, 1, 1], [], []>, transpose_lhs_hint = false} : vector<64x99xbf16>, vector<99x1024xbf16>, vector<64x1024xf32> -> vector<64x1024xf32>
    %reduce_min3A_923 = arith.constant dense<0x7F800000> : vector<1024xf32>
    %reduce_min3A_924 = vector.multi_reduction <minimumf>, %dot_general3A_922, %reduce_min3A_923 [0] : vector<64x1024xf32> to vector<1024xf32>
    %broadcast_in_dim3A_925 = vector.shape_cast %reduce_min3A_924 : vector<1024xf32> to vector<1x1024xf32>
    %le3A_926 = vector.broadcast %broadcast_in_dim3A_925 : vector<1x1024xf32> to vector<64x1024xf32>
    %le3A_927 = arith.cmpf ole, %dot_general3A_922, %le3A_926 : vector<64x1024xf32>
    %jit3A_928 = arith.constant 1073741824 : i32
    %broadcast_in_dim3A_929 = vector.broadcast %jit3A_928 : i32 to vector<64x1024xi32>
    %select_n3A_930 = arith.select %le3A_927, %iota3A, %broadcast_in_dim3A_929 : vector<64x1024xi1>, vector<64x1024xi32>
    %reduce_min3A_931 = arith.constant dense<2147483647> : vector<1024xi32>
    %reduce_min3A_932 = vector.multi_reduction <minsi>, %select_n3A_930, %reduce_min3A_931 [0] : vector<64x1024xi32> to vector<1024xi32>
    %add3A_933 = arith.constant 3008 : i32
    %add3A_934 = vector.broadcast %add3A_933 : i32 to vector<1024xi32>
    %add3A_935 = arith.addi %reduce_min3A_932, %add3A_934 : vector<1024xi32>
    %lt3A_936 = arith.cmpf olt, %reduce_min3A_924, %select_n3A_919 : vector<1024xf32>
    %select_n3A_937 = arith.select %lt3A_936, %add3A_935, %select_n3A_918 : vector<1024xi1>, vector<1024xi32>
    %select_n3A_938 = arith.select %lt3A_936, %reduce_min3A_924, %select_n3A_919 : vector<1024xi1>, vector<1024xf32>
    %slice3A_939 = vector.extract_strided_slice %concatenate3A_36 {offsets = [3072, 0], sizes = [64, 99], strides = [1, 1]} : vector<4096x99xbf16> to vector<64x99xbf16>
    %dot_general3A_940 = arith.constant dense<0.000000e+00> : vector<64x1024xf32>
    %dot_general3A_941 = tpu.matmul %slice3A_939, %concatenate3A_37, %dot_general3A_940 {dimension_numbers = #tpu.dot_dimension_numbers<[1], [0], [0], [1], [0, 0, 1, 1], [], []>, transpose_lhs_hint = false} : vector<64x99xbf16>, vector<99x1024xbf16>, vector<64x1024xf32> -> vector<64x1024xf32>
    %reduce_min3A_942 = arith.constant dense<0x7F800000> : vector<1024xf32>
    %reduce_min3A_943 = vector.multi_reduction <minimumf>, %dot_general3A_941, %reduce_min3A_942 [0] : vector<64x1024xf32> to vector<1024xf32>
    %broadcast_in_dim3A_944 = vector.shape_cast %reduce_min3A_943 : vector<1024xf32> to vector<1x1024xf32>
    %le3A_945 = vector.broadcast %broadcast_in_dim3A_944 : vector<1x1024xf32> to vector<64x1024xf32>
    %le3A_946 = arith.cmpf ole, %dot_general3A_941, %le3A_945 : vector<64x1024xf32>
    %jit3A_947 = arith.constant 1073741824 : i32
    %broadcast_in_dim3A_948 = vector.broadcast %jit3A_947 : i32 to vector<64x1024xi32>
    %select_n3A_949 = arith.select %le3A_946, %iota3A, %broadcast_in_dim3A_948 : vector<64x1024xi1>, vector<64x1024xi32>
    %reduce_min3A_950 = arith.constant dense<2147483647> : vector<1024xi32>
    %reduce_min3A_951 = vector.multi_reduction <minsi>, %select_n3A_949, %reduce_min3A_950 [0] : vector<64x1024xi32> to vector<1024xi32>
    %add3A_952 = arith.constant 3072 : i32
    %add3A_953 = vector.broadcast %add3A_952 : i32 to vector<1024xi32>
    %add3A_954 = arith.addi %reduce_min3A_951, %add3A_953 : vector<1024xi32>
    %lt3A_955 = arith.cmpf olt, %reduce_min3A_943, %select_n3A_938 : vector<1024xf32>
    %select_n3A_956 = arith.select %lt3A_955, %add3A_954, %select_n3A_937 : vector<1024xi1>, vector<1024xi32>
    %select_n3A_957 = arith.select %lt3A_955, %reduce_min3A_943, %select_n3A_938 : vector<1024xi1>, vector<1024xf32>
    %slice3A_958 = vector.extract_strided_slice %concatenate3A_36 {offsets = [3136, 0], sizes = [64, 99], strides = [1, 1]} : vector<4096x99xbf16> to vector<64x99xbf16>
    %dot_general3A_959 = arith.constant dense<0.000000e+00> : vector<64x1024xf32>
    %dot_general3A_960 = tpu.matmul %slice3A_958, %concatenate3A_37, %dot_general3A_959 {dimension_numbers = #tpu.dot_dimension_numbers<[1], [0], [0], [1], [0, 0, 1, 1], [], []>, transpose_lhs_hint = false} : vector<64x99xbf16>, vector<99x1024xbf16>, vector<64x1024xf32> -> vector<64x1024xf32>
    %reduce_min3A_961 = arith.constant dense<0x7F800000> : vector<1024xf32>
    %reduce_min3A_962 = vector.multi_reduction <minimumf>, %dot_general3A_960, %reduce_min3A_961 [0] : vector<64x1024xf32> to vector<1024xf32>
    %broadcast_in_dim3A_963 = vector.shape_cast %reduce_min3A_962 : vector<1024xf32> to vector<1x1024xf32>
    %le3A_964 = vector.broadcast %broadcast_in_dim3A_963 : vector<1x1024xf32> to vector<64x1024xf32>
    %le3A_965 = arith.cmpf ole, %dot_general3A_960, %le3A_964 : vector<64x1024xf32>
    %jit3A_966 = arith.constant 1073741824 : i32
    %broadcast_in_dim3A_967 = vector.broadcast %jit3A_966 : i32 to vector<64x1024xi32>
    %select_n3A_968 = arith.select %le3A_965, %iota3A, %broadcast_in_dim3A_967 : vector<64x1024xi1>, vector<64x1024xi32>
    %reduce_min3A_969 = arith.constant dense<2147483647> : vector<1024xi32>
    %reduce_min3A_970 = vector.multi_reduction <minsi>, %select_n3A_968, %reduce_min3A_969 [0] : vector<64x1024xi32> to vector<1024xi32>
    %add3A_971 = arith.constant 3136 : i32
    %add3A_972 = vector.broadcast %add3A_971 : i32 to vector<1024xi32>
    %add3A_973 = arith.addi %reduce_min3A_970, %add3A_972 : vector<1024xi32>
    %lt3A_974 = arith.cmpf olt, %reduce_min3A_962, %select_n3A_957 : vector<1024xf32>
    %select_n3A_975 = arith.select %lt3A_974, %add3A_973, %select_n3A_956 : vector<1024xi1>, vector<1024xi32>
    %select_n3A_976 = arith.select %lt3A_974, %reduce_min3A_962, %select_n3A_957 : vector<1024xi1>, vector<1024xf32>
    %slice3A_977 = vector.extract_strided_slice %concatenate3A_36 {offsets = [3200, 0], sizes = [64, 99], strides = [1, 1]} : vector<4096x99xbf16> to vector<64x99xbf16>
    %dot_general3A_978 = arith.constant dense<0.000000e+00> : vector<64x1024xf32>
    %dot_general3A_979 = tpu.matmul %slice3A_977, %concatenate3A_37, %dot_general3A_978 {dimension_numbers = #tpu.dot_dimension_numbers<[1], [0], [0], [1], [0, 0, 1, 1], [], []>, transpose_lhs_hint = false} : vector<64x99xbf16>, vector<99x1024xbf16>, vector<64x1024xf32> -> vector<64x1024xf32>
    %reduce_min3A_980 = arith.constant dense<0x7F800000> : vector<1024xf32>
    %reduce_min3A_981 = vector.multi_reduction <minimumf>, %dot_general3A_979, %reduce_min3A_980 [0] : vector<64x1024xf32> to vector<1024xf32>
    %broadcast_in_dim3A_982 = vector.shape_cast %reduce_min3A_981 : vector<1024xf32> to vector<1x1024xf32>
    %le3A_983 = vector.broadcast %broadcast_in_dim3A_982 : vector<1x1024xf32> to vector<64x1024xf32>
    %le3A_984 = arith.cmpf ole, %dot_general3A_979, %le3A_983 : vector<64x1024xf32>
    %jit3A_985 = arith.constant 1073741824 : i32
    %broadcast_in_dim3A_986 = vector.broadcast %jit3A_985 : i32 to vector<64x1024xi32>
    %select_n3A_987 = arith.select %le3A_984, %iota3A, %broadcast_in_dim3A_986 : vector<64x1024xi1>, vector<64x1024xi32>
    %reduce_min3A_988 = arith.constant dense<2147483647> : vector<1024xi32>
    %reduce_min3A_989 = vector.multi_reduction <minsi>, %select_n3A_987, %reduce_min3A_988 [0] : vector<64x1024xi32> to vector<1024xi32>
    %add3A_990 = arith.constant 3200 : i32
    %add3A_991 = vector.broadcast %add3A_990 : i32 to vector<1024xi32>
    %add3A_992 = arith.addi %reduce_min3A_989, %add3A_991 : vector<1024xi32>
    %lt3A_993 = arith.cmpf olt, %reduce_min3A_981, %select_n3A_976 : vector<1024xf32>
    %select_n3A_994 = arith.select %lt3A_993, %add3A_992, %select_n3A_975 : vector<1024xi1>, vector<1024xi32>
    %select_n3A_995 = arith.select %lt3A_993, %reduce_min3A_981, %select_n3A_976 : vector<1024xi1>, vector<1024xf32>
    %slice3A_996 = vector.extract_strided_slice %concatenate3A_36 {offsets = [3264, 0], sizes = [64, 99], strides = [1, 1]} : vector<4096x99xbf16> to vector<64x99xbf16>
    %dot_general3A_997 = arith.constant dense<0.000000e+00> : vector<64x1024xf32>
    %dot_general3A_998 = tpu.matmul %slice3A_996, %concatenate3A_37, %dot_general3A_997 {dimension_numbers = #tpu.dot_dimension_numbers<[1], [0], [0], [1], [0, 0, 1, 1], [], []>, transpose_lhs_hint = false} : vector<64x99xbf16>, vector<99x1024xbf16>, vector<64x1024xf32> -> vector<64x1024xf32>
    %reduce_min3A_999 = arith.constant dense<0x7F800000> : vector<1024xf32>
    %reduce_min3A_1000 = vector.multi_reduction <minimumf>, %dot_general3A_998, %reduce_min3A_999 [0] : vector<64x1024xf32> to vector<1024xf32>
    %broadcast_in_dim3A_1001 = vector.shape_cast %reduce_min3A_1000 : vector<1024xf32> to vector<1x1024xf32>
    %le3A_1002 = vector.broadcast %broadcast_in_dim3A_1001 : vector<1x1024xf32> to vector<64x1024xf32>
    %le3A_1003 = arith.cmpf ole, %dot_general3A_998, %le3A_1002 : vector<64x1024xf32>
    %jit3A_1004 = arith.constant 1073741824 : i32
    %broadcast_in_dim3A_1005 = vector.broadcast %jit3A_1004 : i32 to vector<64x1024xi32>
    %select_n3A_1006 = arith.select %le3A_1003, %iota3A, %broadcast_in_dim3A_1005 : vector<64x1024xi1>, vector<64x1024xi32>
    %reduce_min3A_1007 = arith.constant dense<2147483647> : vector<1024xi32>
    %reduce_min3A_1008 = vector.multi_reduction <minsi>, %select_n3A_1006, %reduce_min3A_1007 [0] : vector<64x1024xi32> to vector<1024xi32>
    %add3A_1009 = arith.constant 3264 : i32
    %add3A_1010 = vector.broadcast %add3A_1009 : i32 to vector<1024xi32>
    %add3A_1011 = arith.addi %reduce_min3A_1008, %add3A_1010 : vector<1024xi32>
    %lt3A_1012 = arith.cmpf olt, %reduce_min3A_1000, %select_n3A_995 : vector<1024xf32>
    %select_n3A_1013 = arith.select %lt3A_1012, %add3A_1011, %select_n3A_994 : vector<1024xi1>, vector<1024xi32>
    %select_n3A_1014 = arith.select %lt3A_1012, %reduce_min3A_1000, %select_n3A_995 : vector<1024xi1>, vector<1024xf32>
    %slice3A_1015 = vector.extract_strided_slice %concatenate3A_36 {offsets = [3328, 0], sizes = [64, 99], strides = [1, 1]} : vector<4096x99xbf16> to vector<64x99xbf16>
    %dot_general3A_1016 = arith.constant dense<0.000000e+00> : vector<64x1024xf32>
    %dot_general3A_1017 = tpu.matmul %slice3A_1015, %concatenate3A_37, %dot_general3A_1016 {dimension_numbers = #tpu.dot_dimension_numbers<[1], [0], [0], [1], [0, 0, 1, 1], [], []>, transpose_lhs_hint = false} : vector<64x99xbf16>, vector<99x1024xbf16>, vector<64x1024xf32> -> vector<64x1024xf32>
    %reduce_min3A_1018 = arith.constant dense<0x7F800000> : vector<1024xf32>
    %reduce_min3A_1019 = vector.multi_reduction <minimumf>, %dot_general3A_1017, %reduce_min3A_1018 [0] : vector<64x1024xf32> to vector<1024xf32>
    %broadcast_in_dim3A_1020 = vector.shape_cast %reduce_min3A_1019 : vector<1024xf32> to vector<1x1024xf32>
    %le3A_1021 = vector.broadcast %broadcast_in_dim3A_1020 : vector<1x1024xf32> to vector<64x1024xf32>
    %le3A_1022 = arith.cmpf ole, %dot_general3A_1017, %le3A_1021 : vector<64x1024xf32>
    %jit3A_1023 = arith.constant 1073741824 : i32
    %broadcast_in_dim3A_1024 = vector.broadcast %jit3A_1023 : i32 to vector<64x1024xi32>
    %select_n3A_1025 = arith.select %le3A_1022, %iota3A, %broadcast_in_dim3A_1024 : vector<64x1024xi1>, vector<64x1024xi32>
    %reduce_min3A_1026 = arith.constant dense<2147483647> : vector<1024xi32>
    %reduce_min3A_1027 = vector.multi_reduction <minsi>, %select_n3A_1025, %reduce_min3A_1026 [0] : vector<64x1024xi32> to vector<1024xi32>
    %add3A_1028 = arith.constant 3328 : i32
    %add3A_1029 = vector.broadcast %add3A_1028 : i32 to vector<1024xi32>
    %add3A_1030 = arith.addi %reduce_min3A_1027, %add3A_1029 : vector<1024xi32>
    %lt3A_1031 = arith.cmpf olt, %reduce_min3A_1019, %select_n3A_1014 : vector<1024xf32>
    %select_n3A_1032 = arith.select %lt3A_1031, %add3A_1030, %select_n3A_1013 : vector<1024xi1>, vector<1024xi32>
    %select_n3A_1033 = arith.select %lt3A_1031, %reduce_min3A_1019, %select_n3A_1014 : vector<1024xi1>, vector<1024xf32>
    %slice3A_1034 = vector.extract_strided_slice %concatenate3A_36 {offsets = [3392, 0], sizes = [64, 99], strides = [1, 1]} : vector<4096x99xbf16> to vector<64x99xbf16>
    %dot_general3A_1035 = arith.constant dense<0.000000e+00> : vector<64x1024xf32>
    %dot_general3A_1036 = tpu.matmul %slice3A_1034, %concatenate3A_37, %dot_general3A_1035 {dimension_numbers = #tpu.dot_dimension_numbers<[1], [0], [0], [1], [0, 0, 1, 1], [], []>, transpose_lhs_hint = false} : vector<64x99xbf16>, vector<99x1024xbf16>, vector<64x1024xf32> -> vector<64x1024xf32>
    %reduce_min3A_1037 = arith.constant dense<0x7F800000> : vector<1024xf32>
    %reduce_min3A_1038 = vector.multi_reduction <minimumf>, %dot_general3A_1036, %reduce_min3A_1037 [0] : vector<64x1024xf32> to vector<1024xf32>
    %broadcast_in_dim3A_1039 = vector.shape_cast %reduce_min3A_1038 : vector<1024xf32> to vector<1x1024xf32>
    %le3A_1040 = vector.broadcast %broadcast_in_dim3A_1039 : vector<1x1024xf32> to vector<64x1024xf32>
    %le3A_1041 = arith.cmpf ole, %dot_general3A_1036, %le3A_1040 : vector<64x1024xf32>
    %jit3A_1042 = arith.constant 1073741824 : i32
    %broadcast_in_dim3A_1043 = vector.broadcast %jit3A_1042 : i32 to vector<64x1024xi32>
    %select_n3A_1044 = arith.select %le3A_1041, %iota3A, %broadcast_in_dim3A_1043 : vector<64x1024xi1>, vector<64x1024xi32>
    %reduce_min3A_1045 = arith.constant dense<2147483647> : vector<1024xi32>
    %reduce_min3A_1046 = vector.multi_reduction <minsi>, %select_n3A_1044, %reduce_min3A_1045 [0] : vector<64x1024xi32> to vector<1024xi32>
    %add3A_1047 = arith.constant 3392 : i32
    %add3A_1048 = vector.broadcast %add3A_1047 : i32 to vector<1024xi32>
    %add3A_1049 = arith.addi %reduce_min3A_1046, %add3A_1048 : vector<1024xi32>
    %lt3A_1050 = arith.cmpf olt, %reduce_min3A_1038, %select_n3A_1033 : vector<1024xf32>
    %select_n3A_1051 = arith.select %lt3A_1050, %add3A_1049, %select_n3A_1032 : vector<1024xi1>, vector<1024xi32>
    %select_n3A_1052 = arith.select %lt3A_1050, %reduce_min3A_1038, %select_n3A_1033 : vector<1024xi1>, vector<1024xf32>
    %slice3A_1053 = vector.extract_strided_slice %concatenate3A_36 {offsets = [3456, 0], sizes = [64, 99], strides = [1, 1]} : vector<4096x99xbf16> to vector<64x99xbf16>
    %dot_general3A_1054 = arith.constant dense<0.000000e+00> : vector<64x1024xf32>
    %dot_general3A_1055 = tpu.matmul %slice3A_1053, %concatenate3A_37, %dot_general3A_1054 {dimension_numbers = #tpu.dot_dimension_numbers<[1], [0], [0], [1], [0, 0, 1, 1], [], []>, transpose_lhs_hint = false} : vector<64x99xbf16>, vector<99x1024xbf16>, vector<64x1024xf32> -> vector<64x1024xf32>
    %reduce_min3A_1056 = arith.constant dense<0x7F800000> : vector<1024xf32>
    %reduce_min3A_1057 = vector.multi_reduction <minimumf>, %dot_general3A_1055, %reduce_min3A_1056 [0] : vector<64x1024xf32> to vector<1024xf32>
    %broadcast_in_dim3A_1058 = vector.shape_cast %reduce_min3A_1057 : vector<1024xf32> to vector<1x1024xf32>
    %le3A_1059 = vector.broadcast %broadcast_in_dim3A_1058 : vector<1x1024xf32> to vector<64x1024xf32>
    %le3A_1060 = arith.cmpf ole, %dot_general3A_1055, %le3A_1059 : vector<64x1024xf32>
    %jit3A_1061 = arith.constant 1073741824 : i32
    %broadcast_in_dim3A_1062 = vector.broadcast %jit3A_1061 : i32 to vector<64x1024xi32>
    %select_n3A_1063 = arith.select %le3A_1060, %iota3A, %broadcast_in_dim3A_1062 : vector<64x1024xi1>, vector<64x1024xi32>
    %reduce_min3A_1064 = arith.constant dense<2147483647> : vector<1024xi32>
    %reduce_min3A_1065 = vector.multi_reduction <minsi>, %select_n3A_1063, %reduce_min3A_1064 [0] : vector<64x1024xi32> to vector<1024xi32>
    %add3A_1066 = arith.constant 3456 : i32
    %add3A_1067 = vector.broadcast %add3A_1066 : i32 to vector<1024xi32>
    %add3A_1068 = arith.addi %reduce_min3A_1065, %add3A_1067 : vector<1024xi32>
    %lt3A_1069 = arith.cmpf olt, %reduce_min3A_1057, %select_n3A_1052 : vector<1024xf32>
    %select_n3A_1070 = arith.select %lt3A_1069, %add3A_1068, %select_n3A_1051 : vector<1024xi1>, vector<1024xi32>
    %select_n3A_1071 = arith.select %lt3A_1069, %reduce_min3A_1057, %select_n3A_1052 : vector<1024xi1>, vector<1024xf32>
    %slice3A_1072 = vector.extract_strided_slice %concatenate3A_36 {offsets = [3520, 0], sizes = [64, 99], strides = [1, 1]} : vector<4096x99xbf16> to vector<64x99xbf16>
    %dot_general3A_1073 = arith.constant dense<0.000000e+00> : vector<64x1024xf32>
    %dot_general3A_1074 = tpu.matmul %slice3A_1072, %concatenate3A_37, %dot_general3A_1073 {dimension_numbers = #tpu.dot_dimension_numbers<[1], [0], [0], [1], [0, 0, 1, 1], [], []>, transpose_lhs_hint = false} : vector<64x99xbf16>, vector<99x1024xbf16>, vector<64x1024xf32> -> vector<64x1024xf32>
    %reduce_min3A_1075 = arith.constant dense<0x7F800000> : vector<1024xf32>
    %reduce_min3A_1076 = vector.multi_reduction <minimumf>, %dot_general3A_1074, %reduce_min3A_1075 [0] : vector<64x1024xf32> to vector<1024xf32>
    %broadcast_in_dim3A_1077 = vector.shape_cast %reduce_min3A_1076 : vector<1024xf32> to vector<1x1024xf32>
    %le3A_1078 = vector.broadcast %broadcast_in_dim3A_1077 : vector<1x1024xf32> to vector<64x1024xf32>
    %le3A_1079 = arith.cmpf ole, %dot_general3A_1074, %le3A_1078 : vector<64x1024xf32>
    %jit3A_1080 = arith.constant 1073741824 : i32
    %broadcast_in_dim3A_1081 = vector.broadcast %jit3A_1080 : i32 to vector<64x1024xi32>
    %select_n3A_1082 = arith.select %le3A_1079, %iota3A, %broadcast_in_dim3A_1081 : vector<64x1024xi1>, vector<64x1024xi32>
    %reduce_min3A_1083 = arith.constant dense<2147483647> : vector<1024xi32>
    %reduce_min3A_1084 = vector.multi_reduction <minsi>, %select_n3A_1082, %reduce_min3A_1083 [0] : vector<64x1024xi32> to vector<1024xi32>
    %add3A_1085 = arith.constant 3520 : i32
    %add3A_1086 = vector.broadcast %add3A_1085 : i32 to vector<1024xi32>
    %add3A_1087 = arith.addi %reduce_min3A_1084, %add3A_1086 : vector<1024xi32>
    %lt3A_1088 = arith.cmpf olt, %reduce_min3A_1076, %select_n3A_1071 : vector<1024xf32>
    %select_n3A_1089 = arith.select %lt3A_1088, %add3A_1087, %select_n3A_1070 : vector<1024xi1>, vector<1024xi32>
    %select_n3A_1090 = arith.select %lt3A_1088, %reduce_min3A_1076, %select_n3A_1071 : vector<1024xi1>, vector<1024xf32>
    %slice3A_1091 = vector.extract_strided_slice %concatenate3A_36 {offsets = [3584, 0], sizes = [64, 99], strides = [1, 1]} : vector<4096x99xbf16> to vector<64x99xbf16>
    %dot_general3A_1092 = arith.constant dense<0.000000e+00> : vector<64x1024xf32>
    %dot_general3A_1093 = tpu.matmul %slice3A_1091, %concatenate3A_37, %dot_general3A_1092 {dimension_numbers = #tpu.dot_dimension_numbers<[1], [0], [0], [1], [0, 0, 1, 1], [], []>, transpose_lhs_hint = false} : vector<64x99xbf16>, vector<99x1024xbf16>, vector<64x1024xf32> -> vector<64x1024xf32>
    %reduce_min3A_1094 = arith.constant dense<0x7F800000> : vector<1024xf32>
    %reduce_min3A_1095 = vector.multi_reduction <minimumf>, %dot_general3A_1093, %reduce_min3A_1094 [0] : vector<64x1024xf32> to vector<1024xf32>
    %broadcast_in_dim3A_1096 = vector.shape_cast %reduce_min3A_1095 : vector<1024xf32> to vector<1x1024xf32>
    %le3A_1097 = vector.broadcast %broadcast_in_dim3A_1096 : vector<1x1024xf32> to vector<64x1024xf32>
    %le3A_1098 = arith.cmpf ole, %dot_general3A_1093, %le3A_1097 : vector<64x1024xf32>
    %jit3A_1099 = arith.constant 1073741824 : i32
    %broadcast_in_dim3A_1100 = vector.broadcast %jit3A_1099 : i32 to vector<64x1024xi32>
    %select_n3A_1101 = arith.select %le3A_1098, %iota3A, %broadcast_in_dim3A_1100 : vector<64x1024xi1>, vector<64x1024xi32>
    %reduce_min3A_1102 = arith.constant dense<2147483647> : vector<1024xi32>
    %reduce_min3A_1103 = vector.multi_reduction <minsi>, %select_n3A_1101, %reduce_min3A_1102 [0] : vector<64x1024xi32> to vector<1024xi32>
    %add3A_1104 = arith.constant 3584 : i32
    %add3A_1105 = vector.broadcast %add3A_1104 : i32 to vector<1024xi32>
    %add3A_1106 = arith.addi %reduce_min3A_1103, %add3A_1105 : vector<1024xi32>
    %lt3A_1107 = arith.cmpf olt, %reduce_min3A_1095, %select_n3A_1090 : vector<1024xf32>
    %select_n3A_1108 = arith.select %lt3A_1107, %add3A_1106, %select_n3A_1089 : vector<1024xi1>, vector<1024xi32>
    %select_n3A_1109 = arith.select %lt3A_1107, %reduce_min3A_1095, %select_n3A_1090 : vector<1024xi1>, vector<1024xf32>
    %slice3A_1110 = vector.extract_strided_slice %concatenate3A_36 {offsets = [3648, 0], sizes = [64, 99], strides = [1, 1]} : vector<4096x99xbf16> to vector<64x99xbf16>
    %dot_general3A_1111 = arith.constant dense<0.000000e+00> : vector<64x1024xf32>
    %dot_general3A_1112 = tpu.matmul %slice3A_1110, %concatenate3A_37, %dot_general3A_1111 {dimension_numbers = #tpu.dot_dimension_numbers<[1], [0], [0], [1], [0, 0, 1, 1], [], []>, transpose_lhs_hint = false} : vector<64x99xbf16>, vector<99x1024xbf16>, vector<64x1024xf32> -> vector<64x1024xf32>
    %reduce_min3A_1113 = arith.constant dense<0x7F800000> : vector<1024xf32>
    %reduce_min3A_1114 = vector.multi_reduction <minimumf>, %dot_general3A_1112, %reduce_min3A_1113 [0] : vector<64x1024xf32> to vector<1024xf32>
    %broadcast_in_dim3A_1115 = vector.shape_cast %reduce_min3A_1114 : vector<1024xf32> to vector<1x1024xf32>
    %le3A_1116 = vector.broadcast %broadcast_in_dim3A_1115 : vector<1x1024xf32> to vector<64x1024xf32>
    %le3A_1117 = arith.cmpf ole, %dot_general3A_1112, %le3A_1116 : vector<64x1024xf32>
    %jit3A_1118 = arith.constant 1073741824 : i32
    %broadcast_in_dim3A_1119 = vector.broadcast %jit3A_1118 : i32 to vector<64x1024xi32>
    %select_n3A_1120 = arith.select %le3A_1117, %iota3A, %broadcast_in_dim3A_1119 : vector<64x1024xi1>, vector<64x1024xi32>
    %reduce_min3A_1121 = arith.constant dense<2147483647> : vector<1024xi32>
    %reduce_min3A_1122 = vector.multi_reduction <minsi>, %select_n3A_1120, %reduce_min3A_1121 [0] : vector<64x1024xi32> to vector<1024xi32>
    %add3A_1123 = arith.constant 3648 : i32
    %add3A_1124 = vector.broadcast %add3A_1123 : i32 to vector<1024xi32>
    %add3A_1125 = arith.addi %reduce_min3A_1122, %add3A_1124 : vector<1024xi32>
    %lt3A_1126 = arith.cmpf olt, %reduce_min3A_1114, %select_n3A_1109 : vector<1024xf32>
    %select_n3A_1127 = arith.select %lt3A_1126, %add3A_1125, %select_n3A_1108 : vector<1024xi1>, vector<1024xi32>
    %select_n3A_1128 = arith.select %lt3A_1126, %reduce_min3A_1114, %select_n3A_1109 : vector<1024xi1>, vector<1024xf32>
    %slice3A_1129 = vector.extract_strided_slice %concatenate3A_36 {offsets = [3712, 0], sizes = [64, 99], strides = [1, 1]} : vector<4096x99xbf16> to vector<64x99xbf16>
    %dot_general3A_1130 = arith.constant dense<0.000000e+00> : vector<64x1024xf32>
    %dot_general3A_1131 = tpu.matmul %slice3A_1129, %concatenate3A_37, %dot_general3A_1130 {dimension_numbers = #tpu.dot_dimension_numbers<[1], [0], [0], [1], [0, 0, 1, 1], [], []>, transpose_lhs_hint = false} : vector<64x99xbf16>, vector<99x1024xbf16>, vector<64x1024xf32> -> vector<64x1024xf32>
    %reduce_min3A_1132 = arith.constant dense<0x7F800000> : vector<1024xf32>
    %reduce_min3A_1133 = vector.multi_reduction <minimumf>, %dot_general3A_1131, %reduce_min3A_1132 [0] : vector<64x1024xf32> to vector<1024xf32>
    %broadcast_in_dim3A_1134 = vector.shape_cast %reduce_min3A_1133 : vector<1024xf32> to vector<1x1024xf32>
    %le3A_1135 = vector.broadcast %broadcast_in_dim3A_1134 : vector<1x1024xf32> to vector<64x1024xf32>
    %le3A_1136 = arith.cmpf ole, %dot_general3A_1131, %le3A_1135 : vector<64x1024xf32>
    %jit3A_1137 = arith.constant 1073741824 : i32
    %broadcast_in_dim3A_1138 = vector.broadcast %jit3A_1137 : i32 to vector<64x1024xi32>
    %select_n3A_1139 = arith.select %le3A_1136, %iota3A, %broadcast_in_dim3A_1138 : vector<64x1024xi1>, vector<64x1024xi32>
    %reduce_min3A_1140 = arith.constant dense<2147483647> : vector<1024xi32>
    %reduce_min3A_1141 = vector.multi_reduction <minsi>, %select_n3A_1139, %reduce_min3A_1140 [0] : vector<64x1024xi32> to vector<1024xi32>
    %add3A_1142 = arith.constant 3712 : i32
    %add3A_1143 = vector.broadcast %add3A_1142 : i32 to vector<1024xi32>
    %add3A_1144 = arith.addi %reduce_min3A_1141, %add3A_1143 : vector<1024xi32>
    %lt3A_1145 = arith.cmpf olt, %reduce_min3A_1133, %select_n3A_1128 : vector<1024xf32>
    %select_n3A_1146 = arith.select %lt3A_1145, %add3A_1144, %select_n3A_1127 : vector<1024xi1>, vector<1024xi32>
    %select_n3A_1147 = arith.select %lt3A_1145, %reduce_min3A_1133, %select_n3A_1128 : vector<1024xi1>, vector<1024xf32>
    %slice3A_1148 = vector.extract_strided_slice %concatenate3A_36 {offsets = [3776, 0], sizes = [64, 99], strides = [1, 1]} : vector<4096x99xbf16> to vector<64x99xbf16>
    %dot_general3A_1149 = arith.constant dense<0.000000e+00> : vector<64x1024xf32>
    %dot_general3A_1150 = tpu.matmul %slice3A_1148, %concatenate3A_37, %dot_general3A_1149 {dimension_numbers = #tpu.dot_dimension_numbers<[1], [0], [0], [1], [0, 0, 1, 1], [], []>, transpose_lhs_hint = false} : vector<64x99xbf16>, vector<99x1024xbf16>, vector<64x1024xf32> -> vector<64x1024xf32>
    %reduce_min3A_1151 = arith.constant dense<0x7F800000> : vector<1024xf32>
    %reduce_min3A_1152 = vector.multi_reduction <minimumf>, %dot_general3A_1150, %reduce_min3A_1151 [0] : vector<64x1024xf32> to vector<1024xf32>
    %broadcast_in_dim3A_1153 = vector.shape_cast %reduce_min3A_1152 : vector<1024xf32> to vector<1x1024xf32>
    %le3A_1154 = vector.broadcast %broadcast_in_dim3A_1153 : vector<1x1024xf32> to vector<64x1024xf32>
    %le3A_1155 = arith.cmpf ole, %dot_general3A_1150, %le3A_1154 : vector<64x1024xf32>
    %jit3A_1156 = arith.constant 1073741824 : i32
    %broadcast_in_dim3A_1157 = vector.broadcast %jit3A_1156 : i32 to vector<64x1024xi32>
    %select_n3A_1158 = arith.select %le3A_1155, %iota3A, %broadcast_in_dim3A_1157 : vector<64x1024xi1>, vector<64x1024xi32>
    %reduce_min3A_1159 = arith.constant dense<2147483647> : vector<1024xi32>
    %reduce_min3A_1160 = vector.multi_reduction <minsi>, %select_n3A_1158, %reduce_min3A_1159 [0] : vector<64x1024xi32> to vector<1024xi32>
    %add3A_1161 = arith.constant 3776 : i32
    %add3A_1162 = vector.broadcast %add3A_1161 : i32 to vector<1024xi32>
    %add3A_1163 = arith.addi %reduce_min3A_1160, %add3A_1162 : vector<1024xi32>
    %lt3A_1164 = arith.cmpf olt, %reduce_min3A_1152, %select_n3A_1147 : vector<1024xf32>
    %select_n3A_1165 = arith.select %lt3A_1164, %add3A_1163, %select_n3A_1146 : vector<1024xi1>, vector<1024xi32>
    %select_n3A_1166 = arith.select %lt3A_1164, %reduce_min3A_1152, %select_n3A_1147 : vector<1024xi1>, vector<1024xf32>
    %slice3A_1167 = vector.extract_strided_slice %concatenate3A_36 {offsets = [3840, 0], sizes = [64, 99], strides = [1, 1]} : vector<4096x99xbf16> to vector<64x99xbf16>
    %dot_general3A_1168 = arith.constant dense<0.000000e+00> : vector<64x1024xf32>
    %dot_general3A_1169 = tpu.matmul %slice3A_1167, %concatenate3A_37, %dot_general3A_1168 {dimension_numbers = #tpu.dot_dimension_numbers<[1], [0], [0], [1], [0, 0, 1, 1], [], []>, transpose_lhs_hint = false} : vector<64x99xbf16>, vector<99x1024xbf16>, vector<64x1024xf32> -> vector<64x1024xf32>
    %reduce_min3A_1170 = arith.constant dense<0x7F800000> : vector<1024xf32>
    %reduce_min3A_1171 = vector.multi_reduction <minimumf>, %dot_general3A_1169, %reduce_min3A_1170 [0] : vector<64x1024xf32> to vector<1024xf32>
    %broadcast_in_dim3A_1172 = vector.shape_cast %reduce_min3A_1171 : vector<1024xf32> to vector<1x1024xf32>
    %le3A_1173 = vector.broadcast %broadcast_in_dim3A_1172 : vector<1x1024xf32> to vector<64x1024xf32>
    %le3A_1174 = arith.cmpf ole, %dot_general3A_1169, %le3A_1173 : vector<64x1024xf32>
    %jit3A_1175 = arith.constant 1073741824 : i32
    %broadcast_in_dim3A_1176 = vector.broadcast %jit3A_1175 : i32 to vector<64x1024xi32>
    %select_n3A_1177 = arith.select %le3A_1174, %iota3A, %broadcast_in_dim3A_1176 : vector<64x1024xi1>, vector<64x1024xi32>
    %reduce_min3A_1178 = arith.constant dense<2147483647> : vector<1024xi32>
    %reduce_min3A_1179 = vector.multi_reduction <minsi>, %select_n3A_1177, %reduce_min3A_1178 [0] : vector<64x1024xi32> to vector<1024xi32>
    %add3A_1180 = arith.constant 3840 : i32
    %add3A_1181 = vector.broadcast %add3A_1180 : i32 to vector<1024xi32>
    %add3A_1182 = arith.addi %reduce_min3A_1179, %add3A_1181 : vector<1024xi32>
    %lt3A_1183 = arith.cmpf olt, %reduce_min3A_1171, %select_n3A_1166 : vector<1024xf32>
    %select_n3A_1184 = arith.select %lt3A_1183, %add3A_1182, %select_n3A_1165 : vector<1024xi1>, vector<1024xi32>
    %select_n3A_1185 = arith.select %lt3A_1183, %reduce_min3A_1171, %select_n3A_1166 : vector<1024xi1>, vector<1024xf32>
    %slice3A_1186 = vector.extract_strided_slice %concatenate3A_36 {offsets = [3904, 0], sizes = [64, 99], strides = [1, 1]} : vector<4096x99xbf16> to vector<64x99xbf16>
    %dot_general3A_1187 = arith.constant dense<0.000000e+00> : vector<64x1024xf32>
    %dot_general3A_1188 = tpu.matmul %slice3A_1186, %concatenate3A_37, %dot_general3A_1187 {dimension_numbers = #tpu.dot_dimension_numbers<[1], [0], [0], [1], [0, 0, 1, 1], [], []>, transpose_lhs_hint = false} : vector<64x99xbf16>, vector<99x1024xbf16>, vector<64x1024xf32> -> vector<64x1024xf32>
    %reduce_min3A_1189 = arith.constant dense<0x7F800000> : vector<1024xf32>
    %reduce_min3A_1190 = vector.multi_reduction <minimumf>, %dot_general3A_1188, %reduce_min3A_1189 [0] : vector<64x1024xf32> to vector<1024xf32>
    %broadcast_in_dim3A_1191 = vector.shape_cast %reduce_min3A_1190 : vector<1024xf32> to vector<1x1024xf32>
    %le3A_1192 = vector.broadcast %broadcast_in_dim3A_1191 : vector<1x1024xf32> to vector<64x1024xf32>
    %le3A_1193 = arith.cmpf ole, %dot_general3A_1188, %le3A_1192 : vector<64x1024xf32>
    %jit3A_1194 = arith.constant 1073741824 : i32
    %broadcast_in_dim3A_1195 = vector.broadcast %jit3A_1194 : i32 to vector<64x1024xi32>
    %select_n3A_1196 = arith.select %le3A_1193, %iota3A, %broadcast_in_dim3A_1195 : vector<64x1024xi1>, vector<64x1024xi32>
    %reduce_min3A_1197 = arith.constant dense<2147483647> : vector<1024xi32>
    %reduce_min3A_1198 = vector.multi_reduction <minsi>, %select_n3A_1196, %reduce_min3A_1197 [0] : vector<64x1024xi32> to vector<1024xi32>
    %add3A_1199 = arith.constant 3904 : i32
    %add3A_1200 = vector.broadcast %add3A_1199 : i32 to vector<1024xi32>
    %add3A_1201 = arith.addi %reduce_min3A_1198, %add3A_1200 : vector<1024xi32>
    %lt3A_1202 = arith.cmpf olt, %reduce_min3A_1190, %select_n3A_1185 : vector<1024xf32>
    %select_n3A_1203 = arith.select %lt3A_1202, %add3A_1201, %select_n3A_1184 : vector<1024xi1>, vector<1024xi32>
    %select_n3A_1204 = arith.select %lt3A_1202, %reduce_min3A_1190, %select_n3A_1185 : vector<1024xi1>, vector<1024xf32>
    %slice3A_1205 = vector.extract_strided_slice %concatenate3A_36 {offsets = [3968, 0], sizes = [64, 99], strides = [1, 1]} : vector<4096x99xbf16> to vector<64x99xbf16>
    %dot_general3A_1206 = arith.constant dense<0.000000e+00> : vector<64x1024xf32>
    %dot_general3A_1207 = tpu.matmul %slice3A_1205, %concatenate3A_37, %dot_general3A_1206 {dimension_numbers = #tpu.dot_dimension_numbers<[1], [0], [0], [1], [0, 0, 1, 1], [], []>, transpose_lhs_hint = false} : vector<64x99xbf16>, vector<99x1024xbf16>, vector<64x1024xf32> -> vector<64x1024xf32>
    %reduce_min3A_1208 = arith.constant dense<0x7F800000> : vector<1024xf32>
    %reduce_min3A_1209 = vector.multi_reduction <minimumf>, %dot_general3A_1207, %reduce_min3A_1208 [0] : vector<64x1024xf32> to vector<1024xf32>
    %broadcast_in_dim3A_1210 = vector.shape_cast %reduce_min3A_1209 : vector<1024xf32> to vector<1x1024xf32>
    %le3A_1211 = vector.broadcast %broadcast_in_dim3A_1210 : vector<1x1024xf32> to vector<64x1024xf32>
    %le3A_1212 = arith.cmpf ole, %dot_general3A_1207, %le3A_1211 : vector<64x1024xf32>
    %jit3A_1213 = arith.constant 1073741824 : i32
    %broadcast_in_dim3A_1214 = vector.broadcast %jit3A_1213 : i32 to vector<64x1024xi32>
    %select_n3A_1215 = arith.select %le3A_1212, %iota3A, %broadcast_in_dim3A_1214 : vector<64x1024xi1>, vector<64x1024xi32>
    %reduce_min3A_1216 = arith.constant dense<2147483647> : vector<1024xi32>
    %reduce_min3A_1217 = vector.multi_reduction <minsi>, %select_n3A_1215, %reduce_min3A_1216 [0] : vector<64x1024xi32> to vector<1024xi32>
    %add3A_1218 = arith.constant 3968 : i32
    %add3A_1219 = vector.broadcast %add3A_1218 : i32 to vector<1024xi32>
    %add3A_1220 = arith.addi %reduce_min3A_1217, %add3A_1219 : vector<1024xi32>
    %lt3A_1221 = arith.cmpf olt, %reduce_min3A_1209, %select_n3A_1204 : vector<1024xf32>
    %select_n3A_1222 = arith.select %lt3A_1221, %add3A_1220, %select_n3A_1203 : vector<1024xi1>, vector<1024xi32>
    %select_n3A_1223 = arith.select %lt3A_1221, %reduce_min3A_1209, %select_n3A_1204 : vector<1024xi1>, vector<1024xf32>
    %slice3A_1224 = vector.extract_strided_slice %concatenate3A_36 {offsets = [4032, 0], sizes = [64, 99], strides = [1, 1]} : vector<4096x99xbf16> to vector<64x99xbf16>
    %dot_general3A_1225 = arith.constant dense<0.000000e+00> : vector<64x1024xf32>
    %dot_general3A_1226 = tpu.matmul %slice3A_1224, %concatenate3A_37, %dot_general3A_1225 {dimension_numbers = #tpu.dot_dimension_numbers<[1], [0], [0], [1], [0, 0, 1, 1], [], []>, transpose_lhs_hint = false} : vector<64x99xbf16>, vector<99x1024xbf16>, vector<64x1024xf32> -> vector<64x1024xf32>
    %reduce_min3A_1227 = arith.constant dense<0x7F800000> : vector<1024xf32>
    %reduce_min3A_1228 = vector.multi_reduction <minimumf>, %dot_general3A_1226, %reduce_min3A_1227 [0] : vector<64x1024xf32> to vector<1024xf32>
    %broadcast_in_dim3A_1229 = vector.shape_cast %reduce_min3A_1228 : vector<1024xf32> to vector<1x1024xf32>
    %le3A_1230 = vector.broadcast %broadcast_in_dim3A_1229 : vector<1x1024xf32> to vector<64x1024xf32>
    %le3A_1231 = arith.cmpf ole, %dot_general3A_1226, %le3A_1230 : vector<64x1024xf32>
    %jit3A_1232 = arith.constant 1073741824 : i32
    %broadcast_in_dim3A_1233 = vector.broadcast %jit3A_1232 : i32 to vector<64x1024xi32>
    %select_n3A_1234 = arith.select %le3A_1231, %iota3A, %broadcast_in_dim3A_1233 : vector<64x1024xi1>, vector<64x1024xi32>
    %reduce_min3A_1235 = arith.constant dense<2147483647> : vector<1024xi32>
    %reduce_min3A_1236 = vector.multi_reduction <minsi>, %select_n3A_1234, %reduce_min3A_1235 [0] : vector<64x1024xi32> to vector<1024xi32>
    %add3A_1237 = arith.constant 4032 : i32
    %add3A_1238 = vector.broadcast %add3A_1237 : i32 to vector<1024xi32>
    %add3A_1239 = arith.addi %reduce_min3A_1236, %add3A_1238 : vector<1024xi32>
    %lt3A_1240 = arith.cmpf olt, %reduce_min3A_1228, %select_n3A_1223 : vector<1024xf32>
    %select_n3A_1241 = arith.select %lt3A_1240, %add3A_1239, %select_n3A_1222 : vector<1024xi1>, vector<1024xi32>
    %select_n3A_1242 = arith.select %lt3A_1240, %reduce_min3A_1228, %select_n3A_1223 : vector<1024xi1>, vector<1024xf32>
    %swap3A = arith.constant 0 : index
    %swap3A_1243 = vector.load %arg2[%swap3A] : memref<1024xi32, #tpu.memory_space<vmem>>, vector<1024xi32>
    tpu.vector_store %arg2[%swap3A], %select_n3A_1241 {strides = array<i32>} : memref<1024xi32, #tpu.memory_space<vmem>>, vector<1024xi32>,
    %reduce_sum3A_1244 = vector.shape_cast %select_n3A_1242 : vector<1024xf32> to vector<1x1024xf32>
    %reduce_sum3A_1245 = arith.constant dense<0.000000e+00> : vector<1xf32>
    %reduce_sum3A_1246 = vector.multi_reduction <add>, %reduce_sum3A_1244, %reduce_sum3A_1245 [1] : vector<1x1024xf32> to vector<1xf32>
    %reduce_sum3A_1247 = vector.shape_cast %reduce_sum3A_1246 : vector<1xf32> to vector<1x1xf32>
    %reduce_sum3A_1248 = vector.extract %reduce_sum3A_1247[0, 0] : f32 from vector<1x1xf32>
    %get3A_1249 = arith.constant 0 : index
    %get3A_1250 = arith.constant 0 : index
    %get3A_1251 = arith.constant 0 : index
    %get3A_1252 = vector.load %arg0[%get3A_1249, %get3A_1250, %get3A_1251] : memref<4x32x256xf32, #tpu.memory_space<vmem>>, vector<4x32x256xf32>
    %get3A_1253 = arith.constant 0 : index
    %get3A_1254 = arith.constant 0 : index
    %get3A_1255 = arith.constant 0 : index
    %get3A_1256 = vector.load %arg0[%get3A_1253, %get3A_1254, %get3A_1255] : memref<4x32x256xf32, #tpu.memory_space<vmem>>, vector<4x32x256xf32>
    %mul3A_1257 = arith.mulf %get3A_1252, %get3A_1256 : vector<4x32x256xf32>
    %reduce_sum3A_1258 = vector.shape_cast %mul3A_1257 : vector<4x32x256xf32> to vector<1x4x32x256xf32>
    %reduce_sum3A_1259 = arith.constant dense<0.000000e+00> : vector<1xf32>
    %reduce_sum3A_1260 = vector.multi_reduction <add>, %reduce_sum3A_1258, %reduce_sum3A_1259 [1, 2, 3] : vector<1x4x32x256xf32> to vector<1xf32>
    %reduce_sum3A_1261 = vector.shape_cast %reduce_sum3A_1260 : vector<1xf32> to vector<1x1x1x1xf32>
    %reduce_sum3A_1262 = vector.extract %reduce_sum3A_1261[0, 0, 0, 0] : f32 from vector<1x1x1x1xf32>
    %add3A_1263 = arith.addf %reduce_sum3A_1248, %reduce_sum3A_1262 : f32
    %mul3A_1264 = arith.constant 3.05175781E-5 : f32
    %mul3A_1265 = arith.mulf %add3A_1263, %mul3A_1264 : f32
    %reshape3A = vector.broadcast %mul3A_1265 : f32 to vector<1x1xf32>
    %swap3A_1266 = arith.constant 0 : index
    %swap3A_1267 = arith.constant 0 : index
    %swap3A_1268 = vector.load %arg3[%swap3A_1266, %swap3A_1267] : memref<1x1xf32, #tpu.memory_space<vmem>>, vector<1x1xf32>
    tpu.vector_store %arg3[%swap3A_1266, %swap3A_1267], %reshape3A {strides = array<i32>} : memref<1x1xf32, #tpu.memory_space<vmem>>, vector<1x1xf32>,
    return
  }
}

</mosaic_0001>

<sc_bundles>
// kernel: kernel.4.cloned.1.call-start
scs
__scs_entry_jumppad:
0x0: {  	(pc) =	sbr.rel $0x88, $3  }
0x1: {  	(tag) =	ssettag $0x0;
	lr =	simm.s32 $0x1  }
0x2: {  	[smem:$0x3F9F] =	sst lr;
	_ =	strace $0xD0000000  }
0x3: {  	_ = 	snop  }
0x4: {  	_ = 	snop  }
0x5: {  	_ = 	snop  }
0x6: {  	_ = 	snop  }
0x7: {  	_ = 	snop  }
__scs_overlays_trampoline_lowered:
0x8: {  	[smem:$0x3FAE] =	sst s0  }
0x9: {  	[smem:$0x3FAF] =	sst s1  }
0xa: {  	[smem:$0x3FB0] =	sst s2  }
0xb: {  	[smem:$0x3FB1] =	sst s3  }
0xc: {  	[smem:$0x3FB2] =	sst s4  }
0xd: {  	[smem:$0x3FB3] =	sst s5  }
0xe: {  	[smem:$0x3FB4] =	sst s6  }
0xf: {  	[smem:$0x3FB5] =	sst s7  }
0x10: {  	[smem:$0x3FB6] =	sst s8  }
0x11: {  	[smem:$0x3FB7] =	sst s9;
	s0 =	simm.s32 @!p0 $0x0  }
0x12: {  	s1 =	sld [smem:$0x3F9D];
	s0 =	simm.s32 @p0 $0x1  }
0x13: {  	[smem:$0x3FB8] =	sst s0;
	s0 =	simm.s32 @!p1 $0x0  }
0x14: {  	s2 =	sld [smem:$0x3F9C];
	s0 =	simm.s32 @p1 $0x1  }
0x15: {  	[smem:$0x3FB9] =	sst s0;
	s0 =	simm.s32 @!p2 $0x0  }
0x16: {  	s3 =	sld [smem:$0x3FDB];
	s0 =	simm.s32 @p2 $0x1  }
0x17: {  	s4 =	simm.s32 $0x1BF5;
	[smem:$0x3FBB] =	sst s0  }
0x18: {  	s0 =	sld [smem:$0x3F9E];
	_ =	swait.ge [sflag:s4], $0x0  }
0x19: {  	s7 =	sld [smem:$0x3F9F]  }
0x1a: {  	s8 =	sadd.s32 $0xFFFFE003, lr  }
0x1b: {  	s9 =	sadd.s32 $0xFFFFFEF7, lr;
	s5 =	simm.s32 $0xFFFFFFFF;
	p2 =	slt.u32 s8, $0xFFFFF086  }
0x1c: {  	p1 =	slt.u32 s9, $0xF7A;
	s5 =	simm.s32 @!p2 $0x0  }
0x1d: {  	s5 =	simm.s32 @p1 $0x1;
	p0 =	seq.s32 s7, s2  }
0x1e: {  	s7 =	smul.u32 @!p0 $0xF7A, s2;
	p2 =	seq.s32 @!p0 s5, $0x0  }
0x1f: {  	s9 =	smul.u32 $0xF7A, s1;
	s8 =	simm.s32 @!p0 $0x1BF5;
	p2 =	por !p2, p0  }
0x20: {  	[sflag:s8] =	ssyncset.s32 @!p0 $0xFFFFF086;
	s6 =	sadd.s32 @!p0 s3, s7;
	s7 =	simm.s32 @!p0 $0x108  }
0x21: {  	s3 =	sadd.s32 s3, s9;
	s6 =	sadd.s32 @!p0 $0x88, s6;
	s7 =	simm.s32 @p2 $0x1082  }
0x22: {  	[simem:s7], [sflag:s8] =	dma.local @!p0 [hbm:s6], $0xF7A  }
0x23: {  	s9 =	sor.u32 $0xD0000000, s2;
	s6 =	simm.s32 $0x108;
	_ =	swait.ge @!p0 [sflag:s8], $0x0  }
0x24: {  	s3 =	sadd.s32 $0x88, s3;
	s6 =	simm.s32 @!p1 $0x1082;
	[sflag:s4] =	ssyncset.s32 $0xFFFFF086  }
0x25: {  	[simem:s6], [sflag:s4] =	dma.local [hbm:s3], $0xF7A  }
0x26: {  	[smem:$0x3F9F] =	sst s1;
	(tag) =	ssettag s2;
	_ =	strace s9  }
0x27: {  	s1 =	sld [smem:$0x3FAF]  }
0x28: {  	s2 =	sld [smem:$0x3FB0]  }
0x29: {  	s4 =	sld [smem:$0x3FB2]  }
0x2a: {  	p0 =	seq.s32 s5, $0x0;
	s5 =	sld [smem:$0x3FB3]  }
0x2b: {  	s6 =	sld [smem:$0x3FB4]  }
0x2c: {  	s7 =	sld [smem:$0x3FB5]  }
0x2d: {  	s3 =	simm.s32 $0x108;
	s8 =	sld [smem:$0x3FB6]  }
0x2e: {  	s3 =	simm.s32 @!p0 $0x1082;
	s9 =	sld [smem:$0x3FB7]  }
0x2f: {  	lr =	sadd.s32 s0, s3;
	s0 =	sld [smem:$0x3FAE]  }
0x30: {  	s3 =	sld [smem:$0x3FB1]  }
0x31: {  	[smem:$0x3FBA] =	sst s10  }
0x32: {  	s10 =	sld [smem:$0x3FB8];
	_ =	sdelay $0x3  }
0x33: {  	p0 =	seq.s32 s10, $0x1;
	s10 =	sld [smem:$0x3FBA];
	_ =	sdelay $0x3  }
0x34: {  	[smem:$0x3FBA] =	sst s10  }
0x35: {  	s10 =	sld [smem:$0x3FB9];
	_ =	sdelay $0x3  }
0x36: {  	p1 =	seq.s32 s10, $0x1;
	s10 =	sld [smem:$0x3FBA];
	_ =	sdelay $0x3  }
0x37: {  	[smem:$0x3FBA] =	sst s10  }
0x38: {  	s10 =	sld [smem:$0x3FBB]  }
0x39: {  	_ = 	snop;
	(pc) =	sbr.ind lr, $3  }
0x3a: {  	_ = 	snop  }
0x3b: {  	_ = 	snop  }
0x3c: {  	p2 =	seq.s32 s10, $0x1;
	s10 =	sld [smem:$0x3FBA]  }
0x3d: {  	_ =	shalt  }
0x3e: {  	_ =	shalt  }
0x3f: {  	_ =	shalt  }
0x40: {  	_ =	shalt  }
0x41: {  	_ =	shalt  }
0x42: {  	_ =	shalt  }
0x43: {  	_ =	shalt  }
0x44: {  	_ =	shalt  }
0x45: {  	_ =	shalt  }
0x46: {  	_ =	shalt  }
0x47: {  	_ =	shalt  }
0x48: {  	_ =	shalt  }
0x49: {  	_ =	shalt  }
0x4a: {  	_ =	shalt  }
0x4b: {  	_ =	shalt  }
0x4c: {  	_ =	shalt  }
0x4d: {  	_ =	shalt  }
0x4e: {  	_ =	shalt  }
0x4f: {  	_ =	shalt  }
0x50: {  	_ =	shalt  }
0x51: {  	_ =	shalt  }
0x52: {  	_ =	shalt  }
0x53: {  	_ =	shalt  }
0x54: {  	_ =	shalt  }
0x55: {  	_ =	shalt  }
0x56: {  	_ =	shalt  }
0x57: {  	_ =	shalt  }
0x58: {  	_ =	shalt  }
0x59: {  	_ =	shalt  }
0x5a: {  	_ =	shalt  }
0x5b: {  	_ =	shalt  }
0x5c: {  	_ =	shalt  }
0x5d: {  	_ =	shalt  }
0x5e: {  	_ =	shalt  }
0x5f: {  	_ =	shalt  }
0x60: {  	_ =	shalt  }
0x61: {  	_ =	shalt  }
0x62: {  	_ =	shalt  }
0x63: {  	_ =	shalt  }
0x64: {  	_ =	shalt  }
0x65: {  	_ =	shalt  }
0x66: {  	_ =	shalt  }
0x67: {  	_ =	shalt  }
0x68: {  	_ =	shalt  }
0x69: {  	_ =	shalt  }
0x6a: {  	_ =	shalt  }
0x6b: {  	_ =	shalt  }
0x6c: {  	_ =	shalt  }
0x6d: {  	_ =	shalt  }
0x6e: {  	_ =	shalt  }
0x6f: {  	_ =	shalt  }
0x70: {  	_ =	shalt  }
0x71: {  	_ =	shalt  }
0x72: {  	_ =	shalt  }
0x73: {  	_ =	shalt  }
0x74: {  	_ =	shalt  }
0x75: {  	_ =	shalt  }
0x76: {  	_ =	shalt  }
0x77: {  	_ =	shalt  }
0x78: {  	_ =	shalt  }
0x79: {  	_ =	shalt  }
0x7a: {  	_ =	shalt  }
0x7b: {  	_ =	shalt  }
0x7c: {  	_ =	shalt  }
0x7d: {  	_ =	shalt  }
0x7e: {  	_ =	shalt  }
0x7f: {  	_ =	shalt  }
0x80: {  	_ =	shalt  }
0x81: {  	_ =	shalt  }
0x82: {  	_ =	shalt  }
0x83: {  	_ =	shalt  }
0x84: {  	_ =	shalt  }
0x85: {  	_ =	shalt  }
0x86: {  	_ =	shalt  }
0x87: {  	_ =	shalt  }
.Lfunc_end0:
.L_simem_size_0:
called_computation_lowered:
.L_overlay_start_0:
0x88: {  	s0 =	sld [smem:$0x3FD9]  }
0x89: {  	s1 =	sld [smem:$0x3FFE];
	_ =	sdelay $0x3  }
0x8a: {  	s0 =	sadd.s32 s1, s0  }
0x8b: {  	[smem:$0x3FC6] =	sst s0  }
0x8c: {  	_ = 	snop  }
0x8d: {  	s0 =	sld [smem:$0x3FD0];
	_ =	sdelay $0x2  }
0x8e: {  	s13 =	simm.s32 $0xA;
	s2 =	simm.s32 $0x10  }
0x8f: {  	[smem:s2], [sflag:s13] =	dma.local [hbm:s0], $0x1  }
0x90: {  	_ =	swait.eq [sflag:s13], $0x1  }
0x91: {  	[sflag:s13] =	ssyncset.done $0x0  }
0x92: {  	[sflag:s13] =	ssyncadd.s32 $0xFFFFFFFF  }
0x93: {  	s14 =	sld [smem:$0x13];
	(tm) =	ssettm $0x1  }
0x94: {  	s15 =	sld [smem:$0x3FFB];
	_ =	sdelay $0x3  }
0x95: {  	_ =	strace s15  }
0x96: {  	s1 =	sld [smem:$0x3FFC];
	_ =	sdelay $0x3  }
0x97: {  	_ =	strace s1  }
0x98: {  	s1 =	sld [smem:$0x3FFD];
	_ =	sdelay $0x3  }
0x99: {  	_ =	strace s1  }
0x9a: {  	_ =	strace $0x8FFFFFFF  }
0x9b: {  	s16 =	sld [smem:$0x3FDB];
	_ =	sdelay $0x1  }
0x9c: {  	s17 =	simm.s32 $_scs_section_size  }
0x9d: {  	s3 =	simm.s32 $_size__tile_overlayer_lowered;
	s4 =	simm.s32 $_tile_overlayer_lowered  }
0x9e: {  	s20 =	simm.s32 $0x1BFF;
	s19 =	sshll.u32 s4, $0x1;
	s1 =	sadd.s32 s17, s16  }
0x9f: {  	s5 =	simm.s32 $0x0;
	s18 =	sshll.u32 s3, $0x1;
	s3 =	sadd.s32 s19, s1  }
0xa0: {  	[timem:s5], [sflag:s20] =	dma.local [hbm:s3], s18  }
0xa1: {  	_ =	swait.ge [sflag:s20], s18  }
0xa2: {  	s2 =	ssub.s32 $0x0, s18;
	[sflag:s20] =	ssyncset.done $0x0  }
0xa3: {  	[sflag:s20] =	ssyncadd.s32 s2;
	_ =	sdelay $0x1  }
0xa4: {  	s21 =	simm.s32 $0x1B8B  }
0xa5: {  	_ =	swait.ge [sflag:s21], $0x1  }
0xa6: {  	[sflag:s21] =	ssyncset.done $0x0  }
0xa7: {  	s23 =	simm.s32 $0x1B8E;
	s22 =	sld [smem:$0x3FFE];
	[sflag:s21] =	ssyncadd.s32 $0xFFFFFFFF  }
0xa8: {  	s24 =	simm.s32 $execute0_lowered;
	[smem:$0x3FD2] =	sst s23  }
0xa9: {  	s3 =	sshll.u32 s24, $0x1;
	_ =	strace $0x80000046;
	[dreg:$0x1] =	wrdreg $0xFFFFFFFF  }
0xaa: {  	s25 =	simm.s32 $_size_execute0_lowered;
	s1 =	sadd.s32 s1, s3;
	[dreg:$0x0] =	wrdreg $0x0  }
0xab: {  	s3 =	sshll.u32 s25, $0x1;
	[dreg:$0x2] =	wrdreg s1  }
0xac: {  	[dreg:$0x3] =	wrdreg s3  }
0xad: {  	[dreg:$0x4] =	wrdreg $0xC0  }
0xae: {  	_ =	task [dreg:s5], $0x5FFFF  }
0xaf: {  	[dreg:$0x1] =	wrdreg $0xFFFFFFFF  }
0xb0: {  	[dreg:$0x0] =	wrdreg $0x60  }
0xb1: {  	[dreg:$0x2] =	wrdreg s14  }
0xb2: {  	[dreg:$0x3] =	wrdreg s22  }
0xb3: {  	[dreg:$0x4] =	wrdreg $0x9  }
0xb4: {  	_ =	task.clear_ibuf [dreg:s5], $0x5FFFF;
	_ =	strace $0x90000046  }
0xb5: {  	s26 =	simm.s32 $0x9;
	_ =	strace $0x80000048  }
0xb6: {  	_ =	swait.ge [sflag:s26], $0x1  }
0xb7: {  	[sflag:s26] =	ssyncadd.s32 $0xFFFFFFFF  }
0xb8: {  	_ =	strace $0x90000048  }
0xb9: {  	_ =	sfence  }
0xba: {  	s28 =	sld [smem:$0x0];
	_ =	sdelay $0x1  }
0xbb: {  	s29 =	srdreg.scid  }
0xbc: {  	s30 =	sshll.u32 s29, $0xD;
	s31 =	sshrl.u32 s29, $0x2  }
0xbd: {  	s2 =	sand.u32 $0x4000, s30;
	s1 =	sand.u32 $0x1, s29;
	s0 =	sadd.s32 s31, s28  }
0xbe: {  	s1 =	sor.u32 s2, s1;
	s0 =	sshll.u32 s0, $0x11  }
0xbf: {  	s0 =	sor.u32 s0, s1  }
0xc0: {  	s0 =	sadd.s32 $0x8F2B, s0  }
0xc1: {  	[sflag:s0] =	ssyncadd.remote.s32 $0x1  }
0xc2: {  	_ =	sfence.sel $0xFFFF  }
0xc3: {  	[dreg:$0x0] =	wrdreg $0xFFFFFFFF;
	(pc) =	sbr.abs _section_cstart, $3  }
0xc4: {  	[dreg:$0x1] =	wrdreg $0xFFFFFFFF  }
0xc5: {  	_ =	task.clear_ibuf [dreg:s5], $0x2FFFF;
	_ =	strace $0x9FFFFFFF  }
0xc6: {  	(tm) =	ssettm $0x7FFFFFFF  }
0xc7: {  	_ =	shalt  }
tec
execute0_lowered:
.L_overlay_start_1:
0x0: {  	(tag) =	ssettag $0x1  }
0x1: {  	s0 =	rddreg [dreg:$0x0]  }
0x2: {  	s1 =	rddreg [dreg:$0x1];
	s2 =	stileid.u32  }
0x3: {  	s3 =	rddreg [dreg:$0x2];
	s4 =	simm.s32 $0x0;
	s5 =	sshll.u32 s2, $0x3  }
0x4: {  	[smem:$0x7FF] =	sst s4;
	s5 =	sadd.s32 s5, s1  }
0x5: {  	s30 =	simm.s32 $0x2;
	_ =	strace $0x80000047;
	s5 =	sadd.s32 $0xC00, s5  }
0x6: {  	[tilespmem:s4], [sflag:$0x2] =	stream.linear.gather [hbm4b:s5+s4], $0x40, $0x38;
	[tilespmem:$0x840] =	vst v63  }
0x7: {  	_ =	swait.ge [sflag:s30], $0x40  }
0x8: {  	[sflag:s30] =	ssyncset.done $0x0  }
0x9: {  	s6 =	simm.s32 $0x40;
	s31 =	simm.s32 $0x1;
	[sflag:s30] =	ssyncadd.s32 $0xFFFFFFC0  }
0xa: {  	[tilespmem:s6], [sflag:$0x1] =	stream.indirect.gather [hbm4b:s0+s6], $0x20, s4, s6, $0xb8;
	[tilespmem:$0x840] =	vst v63  }
0xb: {  	s7 =	sshll.u32 s2, $0x8;
	_ =	swait.ge [sflag:s31], $0x800  }
0xc: {  	s1 =	sadd.s32 s7, s1;
	[sflag:s31] =	ssyncset.done $0x0  }
0xd: {  	s1 =	sadd.s32 $0xE00, s1;
	[sflag:s31] =	ssyncadd.s32 $0xFFFFF800  }
0xe: {  	[hbm4b:s1+s4] =	stream.linear.scatter [tilespmem:s6], [sflag:$0x2], $0x800, $0x38;
	[tilespmem:$0x840] =	vst v63  }
0xf: {  	_ =	swait.ge [sflag:s30], $0x800  }
0x10: {  	[sflag:s30] =	ssyncset.done $0x0  }
0x11: {  	[sflag:s30] =	ssyncadd.s32 $0xFFFFF800  }
0x12: {  	_ =	sfence.sel $0x180000  }
0x13: {  	[bflag:$0x0] =	sbarrier.arrive $0xFFFF  }
0x14: {  	p0 =	sne.s32 s2, $0x0;
	_ =	strace $0x90000047  }
0x15: {  	s0 =	sadd.s32 @!p0 $0x100000, s3;
	[bflag:$0x2] =	sbarrier.arrive $0xFFFF  }
0x16: {  	[sflag:s0] =	ssyncadd.tile.s32 @!p0 $0x1;
	_ =	shalt  }
.Lfunc_end2:
_tile_overlayer_lowered:
.L_overlay_start_2:
0x17: {  	(tag) =	ssettag $0x2  }
0x18: {  	s0 =	rddreg [dreg:$0x0];
	s2 =	stileid.u32  }
0x19: {  	s1 =	rddreg [dreg:$0x1];
	p0 =	sne.s32 s2, $0x0  }
0x1a: {  	s3 =	rddreg [dreg:$0x2];
	[bflag:$0x3] =	sbarrier.arrive $0xFFFF;
	s2 =	simm.s32 @!p0 $0x1C02  }
0x1b: {  	[timem:s3], [sflag:s2] =	dma.local @!p0 [hbm:s0], s1  }
0x1c: {  	s0 =	simm.s32 @!p0 $0x2  }
0x1d: {  	_ =	swait.ge @!p0 [sflag:s0], s1  }
0x1e: {  	s1 =	ssub.s32 @!p0 $0x0, s1;
	[sflag:s0] =	ssyncset.done @!p0 $0x0  }
0x1f: {  	[sflag:s0] =	ssyncadd.s32 @!p0 s1  }
0x20: {  	[bflag:$0x3] =	sbarrier.arrive $0xFFFF  }
0x21: {  	_ =	shalt  }

</sc_bundles>
